<compile_context>
chip_gen: v7x
topology: tpu7x:2x2x1
jax: 0.10.2.dev20260603
libtpu: 0.0.44.dev20260713+nightly
codegen_flags: <defaults>
</compile_context>

<pallas_src>
import functools
import math

import numpy as np
import jax
import jax.numpy as jnp
from jax.experimental import pallas as pl

_H = 16


def _bdot(a, b):
    return jax.lax.dot_general(
        a.astype(jnp.bfloat16), b.astype(jnp.bfloat16),
        (((1,), (0,)), ((), ())), preferred_element_type=jnp.float32)


def _split_bf16(x):
    hi = x.astype(jnp.bfloat16)
    lo = (x - hi.astype(jnp.float32)).astype(jnp.bfloat16)
    return hi, lo


def _dot3(a, bh, bl):
    ah, al = _split_bf16(a)
    return _bdot(ah, bh) + (_bdot(ah, bl) + _bdot(al, bh))


def _dft_mats(L):
    F = L // 2 + 1
    FP = ((F + 127) // 128) * 128
    t = np.arange(L, dtype=np.int64)[:, None]
    f = np.arange(F, dtype=np.int64)[None, :]
    ang = 2.0 * np.pi * ((t * f) % L).astype(np.float64) / L
    CF = np.zeros((L, FP), np.float32)
    SF = np.zeros((L, FP), np.float32)
    CF[:, :F] = np.cos(ang)
    SF[:, :F] = np.sin(ang)
    alpha = np.full((F,), 2.0, np.float64)
    alpha[0] = 1.0
    if L % 2 == 0:
        alpha[F - 1] = 1.0
    ICc = np.zeros((FP, L), np.float32)
    ICs = np.zeros((FP, L), np.float32)
    ICc[:F, :] = (alpha[:, None] / L) * np.cos(ang.T)
    ICs[:F, :] = -(alpha[:, None] / L) * np.sin(ang.T)

    def split(m):
        hi = m.astype(np.dtype(jnp.bfloat16))
        lo = (m - hi.astype(np.float32)).astype(np.dtype(jnp.bfloat16))
        return jnp.asarray(hi), jnp.asarray(lo)

    return split(CF), split(SF), split(ICc), split(ICs)



def _mm_bias_kernel(x_ref, w_ref, b_ref, o_ref):
    o_ref[...] = _bdot(x_ref[...], w_ref[...]) + b_ref[...]


def _matmul_bias(x, W, b, blk):
    M, K = x.shape
    N = W.shape[1]
    return pl.pallas_call(
        _mm_bias_kernel,
        grid=(M // blk,),
        in_specs=[pl.BlockSpec((blk, K), lambda i: (i, 0)),
                  pl.BlockSpec((K, N), lambda i: (0, 0)),
                  pl.BlockSpec((1, N), lambda i: (0, 0))],
        out_specs=pl.BlockSpec((blk, N), lambda i: (i, 0)),
        out_shape=jax.ShapeDtypeStruct((M, N), jnp.float32),
        interpret=False,
    )(x, W, b.reshape(1, N))


def _fwd_kernel(x_ref, cfh_ref, cfl_ref, sfh_ref, sfl_ref, xr_ref, xi_ref):
    xh, xl = _split_bf16(x_ref[...])
    cfh, cfl = cfh_ref[...], cfl_ref[...]
    sfh, sfl = sfh_ref[...], sfl_ref[...]
    xr_ref[...] = _bdot(xh, cfh) + (_bdot(xh, cfl) + _bdot(xl, cfh))
    xi_ref[...] = _bdot(xh, sfh) + (_bdot(xh, sfl) + _bdot(xl, sfh))


def _fwd_fft(x, CFp, SFp, blk):
    M, L = x.shape
    FP = CFp[0].shape[1]
    mat = lambda: pl.BlockSpec((L, FP), lambda i: (0, 0))
    return pl.pallas_call(
        _fwd_kernel,
        grid=(M // blk,),
        in_specs=[pl.BlockSpec((blk, L), lambda i: (i, 0)),
                  mat(), mat(), mat(), mat()],
        out_specs=[pl.BlockSpec((blk, FP), lambda i: (i, 0)),
                   pl.BlockSpec((blk, FP), lambda i: (i, 0))],
        out_shape=[jax.ShapeDtypeStruct((M, FP), jnp.float32),
                   jax.ShapeDtypeStruct((M, FP), jnp.float32)],
        interpret=False,
    )(x, CFp[0], CFp[1], SFp[0], SFp[1])


def _xinv_kernel(ar_ref, ai_ref, br_ref, bi_ref, icch_ref, iccl_ref,
                 icsh_ref, icsl_ref, o_ref):
    ar, ai = ar_ref[...], ai_ref[...]
    br, bi = br_ref[...], bi_ref[...]
    sr = ar * br + ai * bi
    si = ar * bi - ai * br
    o_ref[...] = (_dot3(sr, icch_ref[...], iccl_ref[...])
                  + _dot3(si, icsh_ref[...], icsl_ref[...]))


def _xcorr_inv(Ar, Ai, Br, Bi, ICcp, ICsp, blk):
    M, FP = Ar.shape
    L = ICcp[0].shape[1]
    row = lambda: pl.BlockSpec((blk, FP), lambda i: (i, 0))
    mat = lambda: pl.BlockSpec((FP, L), lambda i: (0, 0))
    return pl.pallas_call(
        _xinv_kernel,
        grid=(M // blk,),
        in_specs=[row(), row(), row(), row(), mat(), mat(), mat(), mat()],
        out_specs=pl.BlockSpec((blk, L), lambda i: (i, 0)),
        out_shape=jax.ShapeDtypeStruct((M, L), jnp.float32),
        interpret=False,
    )(Ar, Ai, Br, Bi, ICcp[0], ICcp[1], ICsp[0], ICsp[1])


def _topk_c_kernel(r_ref, c_ref, *, L, k):
    vals = r_ref[...]
    iota = jax.lax.broadcasted_iota(jnp.int32, vals.shape, 1)
    ws, ds = [], []
    for _ in range(k):
        m = jnp.max(vals, axis=1, keepdims=True)
        hit = vals == m
        idx = jnp.min(jnp.where(hit, iota, L), axis=1, keepdims=True)
        sel = iota == idx
        ws.append(m)
        ds.append(idx)
        vals = jnp.where(sel, -jnp.inf, vals)
    w = jnp.concatenate(ws, axis=1)
    p = jax.nn.softmax(w, axis=1)
    acc = jnp.zeros(r_ref.shape, jnp.float32)
    for i in range(k):
        acc = acc + jnp.where(iota == ds[i], p[:, i:i + 1], 0.0)
    c_ref[...] = acc


def _topk_c(R, k, blk):
    M, L = R.shape
    return pl.pallas_call(
        functools.partial(_topk_c_kernel, L=L, k=k),
        grid=(M // blk,),
        in_specs=[pl.BlockSpec((blk, L), lambda i: (i, 0))],
        out_specs=pl.BlockSpec((blk, L), lambda i: (i, 0)),
        out_shape=jax.ShapeDtypeStruct((M, L), jnp.float32),
        interpret=False,
    )(R)



def kernel(q, k, v, Wq, bq, Wk, bk, Wv, bv, Wo, bo):
    B, L, D = q.shape
    H = _H
    depth = D // H
    lanes = B * H * depth
    kk = int(2 * math.log(L))

    mm_blk = min(512, B * L)
    lane_blk = min(256, lanes)

    qp = _matmul_bias(q.reshape(B * L, D), Wq, bq, mm_blk)
    kp = _matmul_bias(k.reshape(B * L, D), Wk, bk, mm_blk)

    def to_lanes(x):
        return x.reshape(B, L, H, depth).transpose(0, 2, 3, 1).reshape(lanes, L)

    qt = to_lanes(qp)
    kt = to_lanes(kp)

    CFp, SFp, ICcp, ICsp = _dft_mats(L)
    Qr, Qi = _fwd_fft(qt, CFp, SFp, lane_blk)
    Kr, Ki = _fwd_fft(kt, CFp, SFp, lane_blk)
    R = _xcorr_inv(Qr, Qi, Kr, Ki, ICcp, ICsp, lane_blk)
    c = _topk_c(R, kk, lane_blk)
    Cr, Ci = _fwd_fft(c, CFp, SFp, lane_blk)
    agg = _xcorr_inv(Qr, Qi, Cr, Ci, ICcp, ICsp, lane_blk)

    da = agg.reshape(B, H, depth, L).transpose(0, 3, 1, 2).reshape(B * L, D)
    out = _matmul_bias(da, Wo, bo, mm_blk)
    return out.reshape(B, L, D)

# --- scband reference (transcript-rebuilt; emitter-appended) ---
"""Pipeline reference for scband-auto-correlation-24240795419432 (READ-ONLY COPY).

The authoritative reference and input builder live on the scoring server;
editing this copy changes nothing except your own understanding.
"""

import math
import jax, jax.numpy as jnp
import numpy as np

B, L, D_MODEL, H = 4, 2048, 1024, 16
DEPTH = D_MODEL // H

def setup_inputs(seed: int = 0) -> dict:
    key = jax.random.key(seed)
    ks = jax.random.split(key, 11)
    scale = 1.0 / math.sqrt(D_MODEL)
    q = jax.random.normal(ks[0], (B, L, D_MODEL), jnp.float32)
    k = jax.random.normal(ks[1], (B, L, D_MODEL), jnp.float32)
    v = jax.random.normal(ks[2], (B, L, D_MODEL), jnp.float32)
    Wq = jax.random.normal(ks[3], (D_MODEL, D_MODEL), jnp.float32) * scale
    bq = jnp.zeros((D_MODEL,), jnp.float32)
    Wk = jax.random.normal(ks[4], (D_MODEL, D_MODEL), jnp.float32) * scale
    bk = jnp.zeros((D_MODEL,), jnp.float32)
    Wv = jax.random.normal(ks[5], (D_MODEL, D_MODEL), jnp.float32) * scale
    bv = jnp.zeros((D_MODEL,), jnp.float32)
    Wo = jax.random.normal(ks[6], (D_MODEL, D_MODEL), jnp.float32) * scale
    bo = jnp.zeros((D_MODEL,), jnp.float32)
    return {"q": q, "k": k, "v": v, "Wq": Wq, "bq": bq, "Wk": Wk, "bk": bk, "Wv": Wv, "bv": bv, "Wo": Wo, "bo": bo}

def _split_heads(x, batch_size):
    x = x.reshape(batch_size, -1, H, DEPTH)
    return jnp.transpose(x, (0, 2, 1, 3))

def _time_delay_agg(q, k):
    # q, k: (B, H, L, depth)
    Ltime = q.shape[2]
    qt = jnp.transpose(q, (0, 1, 3, 2))  # (B, H, depth, L)
    kt = jnp.transpose(k, (0, 1, 3, 2))
    q_fft = jnp.fft.rfft(qt, axis=-1)
    k_fft = jnp.fft.rfft(kt, axis=-1)
    S_qk = q_fft * jnp.conj(k_fft)
    R_qk = jnp.fft.irfft(S_qk, n=Ltime, axis=-1)  # (B, H, depth, L)
    top_k = int(2 * math.log(Ltime))
    weights, indices = jax.lax.top_k(R_qk, top_k)
    tmp_corr = jax.nn.softmax(weights, axis=-1)
    tmp_values = jnp.tile(qt, (1, 1, 1, 2))  # (B, H, depth, 2L)
    init_index = jnp.broadcast_to(jnp.arange(Ltime)[None, None, None, :], qt.shape)
    delays_agg = jnp.zeros_like(qt)
    for i in range(top_k):
        idx = init_index + indices[..., i][..., None]
        pattern = jnp.take_along_axis(tmp_values, idx, axis=-1)
        delays_agg = delays_agg + pattern * tmp_corr[..., i][..., None]
    return delays_agg  # (B, H, depth, L)

def reference(q, k, v, Wq, bq, Wk, bk, Wv, bv, Wo, bo):
    batch_size = q.shape[0]
    qp = q @ Wq + bq
    kp = k @ Wk + bk
    vp = v @ Wv + bv
    Q = _split_heads(qp, batch_size)
    K = _split_heads(kp, batch_size)
    V = _split_heads(vp, batch_size)
    Ltime = Q.shape[2]
    # L == S here, so truncation branch: k = k[:, :, :L, :], v = v[:, :, :L, :]
    K = K[:, :, :Ltime, :]
    V = V[:, :, :Ltime, :]
    delays_agg = _time_delay_agg(Q, K)  # V is projected but unused in agg (faithful)
    delays_agg = jnp.transpose(delays_agg, (0, 3, 1, 2))  # (B, L, H, depth)
    concat = delays_agg.reshape(batch_size, -1, D_MODEL)
    out = concat @ Wo + bo
    return out

if __name__ == "__main__":
    import jax
    _d = setup_inputs()
    print(jax.jit(kernel)(*tuple(_d.values())))

</pallas_src>

<mosaic_0001>
module attributes {stable_mosaic.version = 14 : i64} {
  func.func @_mm_bias_kernel(%arg0: i32, %arg1: memref<512x1024xf32, #tpu.memory_space<vmem>>, %arg2: memref<1024x1024xf32, #tpu.memory_space<vmem>>, %arg3: memref<1x1024xf32, #tpu.memory_space<vmem>>, %arg4: memref<512x1024xf32, #tpu.memory_space<vmem>>) attributes {dimension_semantics = [#tpu.dimension_semantics<arbitrary>], iteration_bounds = array<i64: 16>, scalar_prefetch = 0 : i64, scratch_operands = 0 : i64, tpu.core_type = #tpu.core_type<tc>, window_params = [{transform_indices = @transform_0, window_bounds = array<i64: 512, 1024>}, {pipeline_mode = #tpu.pipeline_mode<synchronous>, transform_indices = @transform_1, window_bounds = array<i64: 1024, 1024>}, {pipeline_mode = #tpu.pipeline_mode<synchronous>, transform_indices = @transform_2, window_bounds = array<i64: 1, 1024>}, {transform_indices = @transform_3, window_bounds = array<i64: 512, 1024>}]} {
    %get3A = arith.constant 0 : index
    %get3A_0 = arith.constant 0 : index
    %get3A_1 = vector.load %arg1[%get3A, %get3A_0] : memref<512x1024xf32, #tpu.memory_space<vmem>>, vector<512x1024xf32>
    %get3A_2 = arith.constant 0 : index
    %get3A_3 = arith.constant 0 : index
    %get3A_4 = vector.load %arg2[%get3A_2, %get3A_3] : memref<1024x1024xf32, #tpu.memory_space<vmem>>, vector<1024x1024xf32>
    %convert_element_type3A = arith.truncf %get3A_1 : vector<512x1024xf32> to vector<512x1024xbf16>
    %convert_element_type3A_5 = arith.truncf %get3A_4 : vector<1024x1024xf32> to vector<1024x1024xbf16>
    %dot_general3A = arith.constant dense<0.000000e+00> : vector<512x1024xf32>
    %dot_general3A_6 = tpu.matmul %convert_element_type3A, %convert_element_type3A_5, %dot_general3A {dimension_numbers = #tpu.dot_dimension_numbers<[1], [0], [0], [1], [0, 0, 1, 1], [], []>, transpose_lhs_hint = false} : vector<512x1024xbf16>, vector<1024x1024xbf16>, vector<512x1024xf32> -> vector<512x1024xf32>
    %get3A_7 = arith.constant 0 : index
    %get3A_8 = arith.constant 0 : index
    %get3A_9 = vector.load %arg3[%get3A_7, %get3A_8] : memref<1x1024xf32, #tpu.memory_space<vmem>>, vector<1x1024xf32>
    %add3A = vector.broadcast %get3A_9 : vector<1x1024xf32> to vector<512x1024xf32>
    %add3A_10 = arith.addf %dot_general3A_6, %add3A : vector<512x1024xf32>
    %swap3A = arith.constant 0 : index
    %swap3A_11 = arith.constant 0 : index
    %swap3A_12 = vector.load %arg4[%swap3A, %swap3A_11] : memref<512x1024xf32, #tpu.memory_space<vmem>>, vector<512x1024xf32>
    tpu.vector_store %arg4[%swap3A, %swap3A_11], %add3A_10 {strides = array<i32>} : memref<512x1024xf32, #tpu.memory_space<vmem>>, vector<512x1024xf32>,
    return
  }
  func.func @transform_0(%arg0: i32) -> (i32, i32) {
    %c0_i32 = arith.constant 0 : i32
    %c0_i32_0 = arith.constant 0 : i32
    return %arg0, %c0_i32 : i32, i32
  }
  func.func @transform_1(%arg0: i32) -> (i32, i32) {
    %c0_i32 = arith.constant 0 : i32
    %c0_i32_0 = arith.constant 0 : i32
    %c0_i32_1 = arith.constant 0 : i32
    return %c0_i32, %c0_i32_0 : i32, i32
  }
  func.func @transform_2(%arg0: i32) -> (i32, i32) {
    %c0_i32 = arith.constant 0 : i32
    %c0_i32_0 = arith.constant 0 : i32
    %c0_i32_1 = arith.constant 0 : i32
    return %c0_i32, %c0_i32_0 : i32, i32
  }
  func.func @transform_3(%arg0: i32) -> (i32, i32) {
    %c0_i32 = arith.constant 0 : i32
    %c0_i32_0 = arith.constant 0 : i32
    return %arg0, %c0_i32 : i32, i32
  }
}

module attributes {stable_mosaic.version = 14 : i64} {
  func.func @_fwd_kernel(%arg0: i32, %arg1: memref<256x2048xf32, #tpu.memory_space<vmem>>, %arg2: memref<2048x1152xbf16, #tpu.memory_space<vmem>>, %arg3: memref<2048x1152xbf16, #tpu.memory_space<vmem>>, %arg4: memref<2048x1152xbf16, #tpu.memory_space<vmem>>, %arg5: memref<2048x1152xbf16, #tpu.memory_space<vmem>>, %arg6: memref<256x1152xf32, #tpu.memory_space<vmem>>, %arg7: memref<256x1152xf32, #tpu.memory_space<vmem>>) attributes {dimension_semantics = [#tpu.dimension_semantics<arbitrary>], iteration_bounds = array<i64: 16>, scalar_prefetch = 0 : i64, scratch_operands = 0 : i64, tpu.core_type = #tpu.core_type<tc>, window_params = [{transform_indices = @transform_0, window_bounds = array<i64: 256, 2048>}, {pipeline_mode = #tpu.pipeline_mode<synchronous>, transform_indices = @transform_1, window_bounds = array<i64: 2048, 1152>}, {pipeline_mode = #tpu.pipeline_mode<synchronous>, transform_indices = @transform_2, window_bounds = array<i64: 2048, 1152>}, {pipeline_mode = #tpu.pipeline_mode<synchronous>, transform_indices = @transform_3, window_bounds = array<i64: 2048, 1152>}, {pipeline_mode = #tpu.pipeline_mode<synchronous>, transform_indices = @transform_4, window_bounds = array<i64: 2048, 1152>}, {transform_indices = @transform_5, window_bounds = array<i64: 256, 1152>}, {transform_indices = @transform_6, window_bounds = array<i64: 256, 1152>}]} {
    %get3A = arith.constant 0 : index
    %get3A_0 = arith.constant 0 : index
    %get3A_1 = vector.load %arg1[%get3A, %get3A_0] : memref<256x2048xf32, #tpu.memory_space<vmem>>, vector<256x2048xf32>
    %convert_element_type3A = arith.truncf %get3A_1 : vector<256x2048xf32> to vector<256x2048xbf16>
    %convert_element_type3A_2 = arith.extf %convert_element_type3A : vector<256x2048xbf16> to vector<256x2048xf32>
    %sub3A = arith.subf %get3A_1, %convert_element_type3A_2 : vector<256x2048xf32>
    %convert_element_type3A_3 = arith.truncf %sub3A : vector<256x2048xf32> to vector<256x2048xbf16>
    %get3A_4 = arith.constant 0 : index
    %get3A_5 = arith.constant 0 : index
    %get3A_6 = vector.load %arg2[%get3A_4, %get3A_5] : memref<2048x1152xbf16, #tpu.memory_space<vmem>>, vector<2048x1152xbf16>
    %get3A_7 = arith.constant 0 : index
    %get3A_8 = arith.constant 0 : index
    %get3A_9 = vector.load %arg3[%get3A_7, %get3A_8] : memref<2048x1152xbf16, #tpu.memory_space<vmem>>, vector<2048x1152xbf16>
    %get3A_10 = arith.constant 0 : index
    %get3A_11 = arith.constant 0 : index
    %get3A_12 = vector.load %arg4[%get3A_10, %get3A_11] : memref<2048x1152xbf16, #tpu.memory_space<vmem>>, vector<2048x1152xbf16>
    %get3A_13 = arith.constant 0 : index
    %get3A_14 = arith.constant 0 : index
    %get3A_15 = vector.load %arg5[%get3A_13, %get3A_14] : memref<2048x1152xbf16, #tpu.memory_space<vmem>>, vector<2048x1152xbf16>
    %dot_general3A = arith.constant dense<0.000000e+00> : vector<256x1152xf32>
    %dot_general3A_16 = tpu.matmul %convert_element_type3A, %get3A_6, %dot_general3A {dimension_numbers = #tpu.dot_dimension_numbers<[1], [0], [0], [1], [0, 0, 1, 1], [], []>, transpose_lhs_hint = false} : vector<256x2048xbf16>, vector<2048x1152xbf16>, vector<256x1152xf32> -> vector<256x1152xf32>
    %dot_general3A_17 = arith.constant dense<0.000000e+00> : vector<256x1152xf32>
    %dot_general3A_18 = tpu.matmul %convert_element_type3A, %get3A_9, %dot_general3A_17 {dimension_numbers = #tpu.dot_dimension_numbers<[1], [0], [0], [1], [0, 0, 1, 1], [], []>, transpose_lhs_hint = false} : vector<256x2048xbf16>, vector<2048x1152xbf16>, vector<256x1152xf32> -> vector<256x1152xf32>
    %dot_general3A_19 = arith.constant dense<0.000000e+00> : vector<256x1152xf32>
    %dot_general3A_20 = tpu.matmul %convert_element_type3A_3, %get3A_6, %dot_general3A_19 {dimension_numbers = #tpu.dot_dimension_numbers<[1], [0], [0], [1], [0, 0, 1, 1], [], []>, transpose_lhs_hint = false} : vector<256x2048xbf16>, vector<2048x1152xbf16>, vector<256x1152xf32> -> vector<256x1152xf32>
    %add3A = arith.addf %dot_general3A_18, %dot_general3A_20 : vector<256x1152xf32>
    %add3A_21 = arith.addf %dot_general3A_16, %add3A : vector<256x1152xf32>
    %swap3A = arith.constant 0 : index
    %swap3A_22 = arith.constant 0 : index
    %swap3A_23 = vector.load %arg6[%swap3A, %swap3A_22] : memref<256x1152xf32, #tpu.memory_space<vmem>>, vector<256x1152xf32>
    tpu.vector_store %arg6[%swap3A, %swap3A_22], %add3A_21 {strides = array<i32>} : memref<256x1152xf32, #tpu.memory_space<vmem>>, vector<256x1152xf32>,
    %dot_general3A_24 = arith.constant dense<0.000000e+00> : vector<256x1152xf32>
    %dot_general3A_25 = tpu.matmul %convert_element_type3A, %get3A_12, %dot_general3A_24 {dimension_numbers = #tpu.dot_dimension_numbers<[1], [0], [0], [1], [0, 0, 1, 1], [], []>, transpose_lhs_hint = false} : vector<256x2048xbf16>, vector<2048x1152xbf16>, vector<256x1152xf32> -> vector<256x1152xf32>
    %dot_general3A_26 = arith.constant dense<0.000000e+00> : vector<256x1152xf32>
    %dot_general3A_27 = tpu.matmul %convert_element_type3A, %get3A_15, %dot_general3A_26 {dimension_numbers = #tpu.dot_dimension_numbers<[1], [0], [0], [1], [0, 0, 1, 1], [], []>, transpose_lhs_hint = false} : vector<256x2048xbf16>, vector<2048x1152xbf16>, vector<256x1152xf32> -> vector<256x1152xf32>
    %dot_general3A_28 = arith.constant dense<0.000000e+00> : vector<256x1152xf32>
    %dot_general3A_29 = tpu.matmul %convert_element_type3A_3, %get3A_12, %dot_general3A_28 {dimension_numbers = #tpu.dot_dimension_numbers<[1], [0], [0], [1], [0, 0, 1, 1], [], []>, transpose_lhs_hint = false} : vector<256x2048xbf16>, vector<2048x1152xbf16>, vector<256x1152xf32> -> vector<256x1152xf32>
    %add3A_30 = arith.addf %dot_general3A_27, %dot_general3A_29 : vector<256x1152xf32>
    %add3A_31 = arith.addf %dot_general3A_25, %add3A_30 : vector<256x1152xf32>
    %swap3A_32 = arith.constant 0 : index
    %swap3A_33 = arith.constant 0 : index
    %swap3A_34 = vector.load %arg7[%swap3A_32, %swap3A_33] : memref<256x1152xf32, #tpu.memory_space<vmem>>, vector<256x1152xf32>
    tpu.vector_store %arg7[%swap3A_32, %swap3A_33], %add3A_31 {strides = array<i32>} : memref<256x1152xf32, #tpu.memory_space<vmem>>, vector<256x1152xf32>,
    return
  }
  func.func @transform_0(%arg0: i32) -> (i32, i32) {
    %c0_i32 = arith.constant 0 : i32
    %c0_i32_0 = arith.constant 0 : i32
    return %arg0, %c0_i32 : i32, i32
  }
  func.func @transform_1(%arg0: i32) -> (i32, i32) {
    %c0_i32 = arith.constant 0 : i32
    %c0_i32_0 = arith.constant 0 : i32
    %c0_i32_1 = arith.constant 0 : i32
    return %c0_i32, %c0_i32_0 : i32, i32
  }
  func.func @transform_2(%arg0: i32) -> (i32, i32) {
    %c0_i32 = arith.constant 0 : i32
    %c0_i32_0 = arith.constant 0 : i32
    %c0_i32_1 = arith.constant 0 : i32
    return %c0_i32, %c0_i32_0 : i32, i32
  }
  func.func @transform_3(%arg0: i32) -> (i32, i32) {
    %c0_i32 = arith.constant 0 : i32
    %c0_i32_0 = arith.constant 0 : i32
    %c0_i32_1 = arith.constant 0 : i32
    return %c0_i32, %c0_i32_0 : i32, i32
  }
  func.func @transform_4(%arg0: i32) -> (i32, i32) {
    %c0_i32 = arith.constant 0 : i32
    %c0_i32_0 = arith.constant 0 : i32
    %c0_i32_1 = arith.constant 0 : i32
    return %c0_i32, %c0_i32_0 : i32, i32
  }
  func.func @transform_5(%arg0: i32) -> (i32, i32) {
    %c0_i32 = arith.constant 0 : i32
    %c0_i32_0 = arith.constant 0 : i32
    return %arg0, %c0_i32 : i32, i32
  }
  func.func @transform_6(%arg0: i32) -> (i32, i32) {
    %c0_i32 = arith.constant 0 : i32
    %c0_i32_0 = arith.constant 0 : i32
    return %arg0, %c0_i32 : i32, i32
  }
}

module attributes {stable_mosaic.version = 14 : i64} {
  func.func @_xinv_kernel(%arg0: i32, %arg1: memref<256x1152xf32, #tpu.memory_space<vmem>>, %arg2: memref<256x1152xf32, #tpu.memory_space<vmem>>, %arg3: memref<256x1152xf32, #tpu.memory_space<vmem>>, %arg4: memref<256x1152xf32, #tpu.memory_space<vmem>>, %arg5: memref<1152x2048xbf16, #tpu.memory_space<vmem>>, %arg6: memref<1152x2048xbf16, #tpu.memory_space<vmem>>, %arg7: memref<1152x2048xbf16, #tpu.memory_space<vmem>>, %arg8: memref<1152x2048xbf16, #tpu.memory_space<vmem>>, %arg9: memref<256x2048xf32, #tpu.memory_space<vmem>>) attributes {dimension_semantics = [#tpu.dimension_semantics<arbitrary>], iteration_bounds = array<i64: 16>, scalar_prefetch = 0 : i64, scratch_operands = 0 : i64, tpu.core_type = #tpu.core_type<tc>, window_params = [{transform_indices = @transform_0, window_bounds = array<i64: 256, 1152>}, {transform_indices = @transform_1, window_bounds = array<i64: 256, 1152>}, {transform_indices = @transform_2, window_bounds = array<i64: 256, 1152>}, {transform_indices = @transform_3, window_bounds = array<i64: 256, 1152>}, {pipeline_mode = #tpu.pipeline_mode<synchronous>, transform_indices = @transform_4, window_bounds = array<i64: 1152, 2048>}, {pipeline_mode = #tpu.pipeline_mode<synchronous>, transform_indices = @transform_5, window_bounds = array<i64: 1152, 2048>}, {pipeline_mode = #tpu.pipeline_mode<synchronous>, transform_indices = @transform_6, window_bounds = array<i64: 1152, 2048>}, {pipeline_mode = #tpu.pipeline_mode<synchronous>, transform_indices = @transform_7, window_bounds = array<i64: 1152, 2048>}, {transform_indices = @transform_8, window_bounds = array<i64: 256, 2048>}]} {
    %get3A = arith.constant 0 : index
    %get3A_0 = arith.constant 0 : index
    %get3A_1 = vector.load %arg1[%get3A, %get3A_0] : memref<256x1152xf32, #tpu.memory_space<vmem>>, vector<256x1152xf32>
    %get3A_2 = arith.constant 0 : index
    %get3A_3 = arith.constant 0 : index
    %get3A_4 = vector.load %arg2[%get3A_2, %get3A_3] : memref<256x1152xf32, #tpu.memory_space<vmem>>, vector<256x1152xf32>
    %get3A_5 = arith.constant 0 : index
    %get3A_6 = arith.constant 0 : index
    %get3A_7 = vector.load %arg3[%get3A_5, %get3A_6] : memref<256x1152xf32, #tpu.memory_space<vmem>>, vector<256x1152xf32>
    %get3A_8 = arith.constant 0 : index
    %get3A_9 = arith.constant 0 : index
    %get3A_10 = vector.load %arg4[%get3A_8, %get3A_9] : memref<256x1152xf32, #tpu.memory_space<vmem>>, vector<256x1152xf32>
    %mul3A = arith.mulf %get3A_1, %get3A_7 : vector<256x1152xf32>
    %mul3A_11 = arith.mulf %get3A_4, %get3A_10 : vector<256x1152xf32>
    %add3A = arith.addf %mul3A, %mul3A_11 : vector<256x1152xf32>
    %mul3A_12 = arith.mulf %get3A_1, %get3A_10 : vector<256x1152xf32>
    %mul3A_13 = arith.mulf %get3A_4, %get3A_7 : vector<256x1152xf32>
    %sub3A = arith.subf %mul3A_12, %mul3A_13 : vector<256x1152xf32>
    %get3A_14 = arith.constant 0 : index
    %get3A_15 = arith.constant 0 : index
    %get3A_16 = vector.load %arg5[%get3A_14, %get3A_15] : memref<1152x2048xbf16, #tpu.memory_space<vmem>>, vector<1152x2048xbf16>
    %get3A_17 = arith.constant 0 : index
    %get3A_18 = arith.constant 0 : index
    %get3A_19 = vector.load %arg6[%get3A_17, %get3A_18] : memref<1152x2048xbf16, #tpu.memory_space<vmem>>, vector<1152x2048xbf16>
    %convert_element_type3A = arith.truncf %add3A : vector<256x1152xf32> to vector<256x1152xbf16>
    %convert_element_type3A_20 = arith.extf %convert_element_type3A : vector<256x1152xbf16> to vector<256x1152xf32>
    %sub3A_21 = arith.subf %add3A, %convert_element_type3A_20 : vector<256x1152xf32>
    %convert_element_type3A_22 = arith.truncf %sub3A_21 : vector<256x1152xf32> to vector<256x1152xbf16>
    %dot_general3A = arith.constant dense<0.000000e+00> : vector<256x2048xf32>
    %dot_general3A_23 = tpu.matmul %convert_element_type3A, %get3A_16, %dot_general3A {dimension_numbers = #tpu.dot_dimension_numbers<[1], [0], [0], [1], [0, 0, 1, 1], [], []>, transpose_lhs_hint = false} : vector<256x1152xbf16>, vector<1152x2048xbf16>, vector<256x2048xf32> -> vector<256x2048xf32>
    %dot_general3A_24 = arith.constant dense<0.000000e+00> : vector<256x2048xf32>
    %dot_general3A_25 = tpu.matmul %convert_element_type3A, %get3A_19, %dot_general3A_24 {dimension_numbers = #tpu.dot_dimension_numbers<[1], [0], [0], [1], [0, 0, 1, 1], [], []>, transpose_lhs_hint = false} : vector<256x1152xbf16>, vector<1152x2048xbf16>, vector<256x2048xf32> -> vector<256x2048xf32>
    %dot_general3A_26 = arith.constant dense<0.000000e+00> : vector<256x2048xf32>
    %dot_general3A_27 = tpu.matmul %convert_element_type3A_22, %get3A_16, %dot_general3A_26 {dimension_numbers = #tpu.dot_dimension_numbers<[1], [0], [0], [1], [0, 0, 1, 1], [], []>, transpose_lhs_hint = false} : vector<256x1152xbf16>, vector<1152x2048xbf16>, vector<256x2048xf32> -> vector<256x2048xf32>
    %add3A_28 = arith.addf %dot_general3A_25, %dot_general3A_27 : vector<256x2048xf32>
    %add3A_29 = arith.addf %dot_general3A_23, %add3A_28 : vector<256x2048xf32>
    %get3A_30 = arith.constant 0 : index
    %get3A_31 = arith.constant 0 : index
    %get3A_32 = vector.load %arg7[%get3A_30, %get3A_31] : memref<1152x2048xbf16, #tpu.memory_space<vmem>>, vector<1152x2048xbf16>
    %get3A_33 = arith.constant 0 : index
    %get3A_34 = arith.constant 0 : index
    %get3A_35 = vector.load %arg8[%get3A_33, %get3A_34] : memref<1152x2048xbf16, #tpu.memory_space<vmem>>, vector<1152x2048xbf16>
    %convert_element_type3A_36 = arith.truncf %sub3A : vector<256x1152xf32> to vector<256x1152xbf16>
    %convert_element_type3A_37 = arith.extf %convert_element_type3A_36 : vector<256x1152xbf16> to vector<256x1152xf32>
    %sub3A_38 = arith.subf %sub3A, %convert_element_type3A_37 : vector<256x1152xf32>
    %convert_element_type3A_39 = arith.truncf %sub3A_38 : vector<256x1152xf32> to vector<256x1152xbf16>
    %dot_general3A_40 = arith.constant dense<0.000000e+00> : vector<256x2048xf32>
    %dot_general3A_41 = tpu.matmul %convert_element_type3A_36, %get3A_32, %dot_general3A_40 {dimension_numbers = #tpu.dot_dimension_numbers<[1], [0], [0], [1], [0, 0, 1, 1], [], []>, transpose_lhs_hint = false} : vector<256x1152xbf16>, vector<1152x2048xbf16>, vector<256x2048xf32> -> vector<256x2048xf32>
    %dot_general3A_42 = arith.constant dense<0.000000e+00> : vector<256x2048xf32>
    %dot_general3A_43 = tpu.matmul %convert_element_type3A_36, %get3A_35, %dot_general3A_42 {dimension_numbers = #tpu.dot_dimension_numbers<[1], [0], [0], [1], [0, 0, 1, 1], [], []>, transpose_lhs_hint = false} : vector<256x1152xbf16>, vector<1152x2048xbf16>, vector<256x2048xf32> -> vector<256x2048xf32>
    %dot_general3A_44 = arith.constant dense<0.000000e+00> : vector<256x2048xf32>
    %dot_general3A_45 = tpu.matmul %convert_element_type3A_39, %get3A_32, %dot_general3A_44 {dimension_numbers = #tpu.dot_dimension_numbers<[1], [0], [0], [1], [0, 0, 1, 1], [], []>, transpose_lhs_hint = false} : vector<256x1152xbf16>, vector<1152x2048xbf16>, vector<256x2048xf32> -> vector<256x2048xf32>
    %add3A_46 = arith.addf %dot_general3A_43, %dot_general3A_45 : vector<256x2048xf32>
    %add3A_47 = arith.addf %dot_general3A_41, %add3A_46 : vector<256x2048xf32>
    %add3A_48 = arith.addf %add3A_29, %add3A_47 : vector<256x2048xf32>
    %swap3A = arith.constant 0 : index
    %swap3A_49 = arith.constant 0 : index
    %swap3A_50 = vector.load %arg9[%swap3A, %swap3A_49] : memref<256x2048xf32, #tpu.memory_space<vmem>>, vector<256x2048xf32>
    tpu.vector_store %arg9[%swap3A, %swap3A_49], %add3A_48 {strides = array<i32>} : memref<256x2048xf32, #tpu.memory_space<vmem>>, vector<256x2048xf32>,
    return
  }
  func.func @transform_0(%arg0: i32) -> (i32, i32) {
    %c0_i32 = arith.constant 0 : i32
    %c0_i32_0 = arith.constant 0 : i32
    return %arg0, %c0_i32 : i32, i32
  }
  func.func @transform_1(%arg0: i32) -> (i32, i32) {
    %c0_i32 = arith.constant 0 : i32
    %c0_i32_0 = arith.constant 0 : i32
    return %arg0, %c0_i32 : i32, i32
  }
  func.func @transform_2(%arg0: i32) -> (i32, i32) {
    %c0_i32 = arith.constant 0 : i32
    %c0_i32_0 = arith.constant 0 : i32
    return %arg0, %c0_i32 : i32, i32
  }
  func.func @transform_3(%arg0: i32) -> (i32, i32) {
    %c0_i32 = arith.constant 0 : i32
    %c0_i32_0 = arith.constant 0 : i32
    return %arg0, %c0_i32 : i32, i32
  }
  func.func @transform_4(%arg0: i32) -> (i32, i32) {
    %c0_i32 = arith.constant 0 : i32
    %c0_i32_0 = arith.constant 0 : i32
    %c0_i32_1 = arith.constant 0 : i32
    return %c0_i32, %c0_i32_0 : i32, i32
  }
  func.func @transform_5(%arg0: i32) -> (i32, i32) {
    %c0_i32 = arith.constant 0 : i32
    %c0_i32_0 = arith.constant 0 : i32
    %c0_i32_1 = arith.constant 0 : i32
    return %c0_i32, %c0_i32_0 : i32, i32
  }
  func.func @transform_6(%arg0: i32) -> (i32, i32) {
    %c0_i32 = arith.constant 0 : i32
    %c0_i32_0 = arith.constant 0 : i32
    %c0_i32_1 = arith.constant 0 : i32
    return %c0_i32, %c0_i32_0 : i32, i32
  }
  func.func @transform_7(%arg0: i32) -> (i32, i32) {
    %c0_i32 = arith.constant 0 : i32
    %c0_i32_0 = arith.constant 0 : i32
    %c0_i32_1 = arith.constant 0 : i32
    return %c0_i32, %c0_i32_0 : i32, i32
  }
  func.func @transform_8(%arg0: i32) -> (i32, i32) {
    %c0_i32 = arith.constant 0 : i32
    %c0_i32_0 = arith.constant 0 : i32
    return %arg0, %c0_i32 : i32, i32
  }
}

module attributes {stable_mosaic.version = 14 : i64} {
  func.func @_topk_c_kernel(%arg0: i32, %arg1: memref<256x2048xf32, #tpu.memory_space<vmem>>, %arg2: memref<256x2048xf32, #tpu.memory_space<vmem>>) attributes {dimension_semantics = [#tpu.dimension_semantics<arbitrary>], iteration_bounds = array<i64: 16>, scalar_prefetch = 0 : i64, scratch_operands = 0 : i64, tpu.core_type = #tpu.core_type<tc>, window_params = [{transform_indices = @transform_0, window_bounds = array<i64: 256, 2048>}, {transform_indices = @transform_1, window_bounds = array<i64: 256, 2048>}]} {
    %get3A = arith.constant 0 : index
    %get3A_0 = arith.constant 0 : index
    %get3A_1 = vector.load %arg1[%get3A, %get3A_0] : memref<256x2048xf32, #tpu.memory_space<vmem>>, vector<256x2048xf32>
    %iota3A = tpu.iota {dimensions = array<i32: 1>} : vector<256x2048xi32>
    %reduce_max3A = arith.constant dense<0xFF800000> : vector<256xf32>
    %reduce_max3A_2 = vector.multi_reduction <maximumf>, %get3A_1, %reduce_max3A [1] : vector<256x2048xf32> to vector<256xf32>
    %broadcast_in_dim3A = vector.shape_cast %reduce_max3A_2 : vector<256xf32> to vector<256x1xf32>
    %eq3A = vector.broadcast %broadcast_in_dim3A : vector<256x1xf32> to vector<256x2048xf32>
    %eq3A_3 = arith.cmpf oeq, %get3A_1, %eq3A : vector<256x2048xf32>
    %jit3A = arith.constant 2048 : i32
    %broadcast_in_dim3A_4 = vector.broadcast %jit3A : i32 to vector<256x2048xi32>
    %select_n3A = arith.select %eq3A_3, %iota3A, %broadcast_in_dim3A_4 : vector<256x2048xi1>, vector<256x2048xi32>
    %reduce_min3A = arith.constant dense<2147483647> : vector<256xi32>
    %reduce_min3A_5 = vector.multi_reduction <minsi>, %select_n3A, %reduce_min3A [1] : vector<256x2048xi32> to vector<256xi32>
    %broadcast_in_dim3A_6 = vector.shape_cast %reduce_min3A_5 : vector<256xi32> to vector<256x1xi32>
    %eq3A_7 = vector.broadcast %broadcast_in_dim3A_6 : vector<256x1xi32> to vector<256x2048xi32>
    %eq3A_8 = arith.cmpi eq, %iota3A, %eq3A_7 : vector<256x2048xi32>
    %jit3A_9 = arith.constant 0xFF800000 : f32
    %broadcast_in_dim3A_10 = vector.broadcast %jit3A_9 : f32 to vector<256x2048xf32>
    %select_n3A_11 = arith.select %eq3A_8, %broadcast_in_dim3A_10, %get3A_1 : vector<256x2048xi1>, vector<256x2048xf32>
    %reduce_max3A_12 = arith.constant dense<0xFF800000> : vector<256xf32>
    %reduce_max3A_13 = vector.multi_reduction <maximumf>, %select_n3A_11, %reduce_max3A_12 [1] : vector<256x2048xf32> to vector<256xf32>
    %broadcast_in_dim3A_14 = vector.shape_cast %reduce_max3A_13 : vector<256xf32> to vector<256x1xf32>
    %eq3A_15 = vector.broadcast %broadcast_in_dim3A_14 : vector<256x1xf32> to vector<256x2048xf32>
    %eq3A_16 = arith.cmpf oeq, %select_n3A_11, %eq3A_15 : vector<256x2048xf32>
    %jit3A_17 = arith.constant 2048 : i32
    %broadcast_in_dim3A_18 = vector.broadcast %jit3A_17 : i32 to vector<256x2048xi32>
    %select_n3A_19 = arith.select %eq3A_16, %iota3A, %broadcast_in_dim3A_18 : vector<256x2048xi1>, vector<256x2048xi32>
    %reduce_min3A_20 = arith.constant dense<2147483647> : vector<256xi32>
    %reduce_min3A_21 = vector.multi_reduction <minsi>, %select_n3A_19, %reduce_min3A_20 [1] : vector<256x2048xi32> to vector<256xi32>
    %broadcast_in_dim3A_22 = vector.shape_cast %reduce_min3A_21 : vector<256xi32> to vector<256x1xi32>
    %eq3A_23 = vector.broadcast %broadcast_in_dim3A_22 : vector<256x1xi32> to vector<256x2048xi32>
    %eq3A_24 = arith.cmpi eq, %iota3A, %eq3A_23 : vector<256x2048xi32>
    %jit3A_25 = arith.constant 0xFF800000 : f32
    %broadcast_in_dim3A_26 = vector.broadcast %jit3A_25 : f32 to vector<256x2048xf32>
    %select_n3A_27 = arith.select %eq3A_24, %broadcast_in_dim3A_26, %select_n3A_11 : vector<256x2048xi1>, vector<256x2048xf32>
    %reduce_max3A_28 = arith.constant dense<0xFF800000> : vector<256xf32>
    %reduce_max3A_29 = vector.multi_reduction <maximumf>, %select_n3A_27, %reduce_max3A_28 [1] : vector<256x2048xf32> to vector<256xf32>
    %broadcast_in_dim3A_30 = vector.shape_cast %reduce_max3A_29 : vector<256xf32> to vector<256x1xf32>
    %eq3A_31 = vector.broadcast %broadcast_in_dim3A_30 : vector<256x1xf32> to vector<256x2048xf32>
    %eq3A_32 = arith.cmpf oeq, %select_n3A_27, %eq3A_31 : vector<256x2048xf32>
    %jit3A_33 = arith.constant 2048 : i32
    %broadcast_in_dim3A_34 = vector.broadcast %jit3A_33 : i32 to vector<256x2048xi32>
    %select_n3A_35 = arith.select %eq3A_32, %iota3A, %broadcast_in_dim3A_34 : vector<256x2048xi1>, vector<256x2048xi32>
    %reduce_min3A_36 = arith.constant dense<2147483647> : vector<256xi32>
    %reduce_min3A_37 = vector.multi_reduction <minsi>, %select_n3A_35, %reduce_min3A_36 [1] : vector<256x2048xi32> to vector<256xi32>
    %broadcast_in_dim3A_38 = vector.shape_cast %reduce_min3A_37 : vector<256xi32> to vector<256x1xi32>
    %eq3A_39 = vector.broadcast %broadcast_in_dim3A_38 : vector<256x1xi32> to vector<256x2048xi32>
    %eq3A_40 = arith.cmpi eq, %iota3A, %eq3A_39 : vector<256x2048xi32>
    %jit3A_41 = arith.constant 0xFF800000 : f32
    %broadcast_in_dim3A_42 = vector.broadcast %jit3A_41 : f32 to vector<256x2048xf32>
    %select_n3A_43 = arith.select %eq3A_40, %broadcast_in_dim3A_42, %select_n3A_27 : vector<256x2048xi1>, vector<256x2048xf32>
    %reduce_max3A_44 = arith.constant dense<0xFF800000> : vector<256xf32>
    %reduce_max3A_45 = vector.multi_reduction <maximumf>, %select_n3A_43, %reduce_max3A_44 [1] : vector<256x2048xf32> to vector<256xf32>
    %broadcast_in_dim3A_46 = vector.shape_cast %reduce_max3A_45 : vector<256xf32> to vector<256x1xf32>
    %eq3A_47 = vector.broadcast %broadcast_in_dim3A_46 : vector<256x1xf32> to vector<256x2048xf32>
    %eq3A_48 = arith.cmpf oeq, %select_n3A_43, %eq3A_47 : vector<256x2048xf32>
    %jit3A_49 = arith.constant 2048 : i32
    %broadcast_in_dim3A_50 = vector.broadcast %jit3A_49 : i32 to vector<256x2048xi32>
    %select_n3A_51 = arith.select %eq3A_48, %iota3A, %broadcast_in_dim3A_50 : vector<256x2048xi1>, vector<256x2048xi32>
    %reduce_min3A_52 = arith.constant dense<2147483647> : vector<256xi32>
    %reduce_min3A_53 = vector.multi_reduction <minsi>, %select_n3A_51, %reduce_min3A_52 [1] : vector<256x2048xi32> to vector<256xi32>
    %broadcast_in_dim3A_54 = vector.shape_cast %reduce_min3A_53 : vector<256xi32> to vector<256x1xi32>
    %eq3A_55 = vector.broadcast %broadcast_in_dim3A_54 : vector<256x1xi32> to vector<256x2048xi32>
    %eq3A_56 = arith.cmpi eq, %iota3A, %eq3A_55 : vector<256x2048xi32>
    %jit3A_57 = arith.constant 0xFF800000 : f32
    %broadcast_in_dim3A_58 = vector.broadcast %jit3A_57 : f32 to vector<256x2048xf32>
    %select_n3A_59 = arith.select %eq3A_56, %broadcast_in_dim3A_58, %select_n3A_43 : vector<256x2048xi1>, vector<256x2048xf32>
    %reduce_max3A_60 = arith.constant dense<0xFF800000> : vector<256xf32>
    %reduce_max3A_61 = vector.multi_reduction <maximumf>, %select_n3A_59, %reduce_max3A_60 [1] : vector<256x2048xf32> to vector<256xf32>
    %broadcast_in_dim3A_62 = vector.shape_cast %reduce_max3A_61 : vector<256xf32> to vector<256x1xf32>
    %eq3A_63 = vector.broadcast %broadcast_in_dim3A_62 : vector<256x1xf32> to vector<256x2048xf32>
    %eq3A_64 = arith.cmpf oeq, %select_n3A_59, %eq3A_63 : vector<256x2048xf32>
    %jit3A_65 = arith.constant 2048 : i32
    %broadcast_in_dim3A_66 = vector.broadcast %jit3A_65 : i32 to vector<256x2048xi32>
    %select_n3A_67 = arith.select %eq3A_64, %iota3A, %broadcast_in_dim3A_66 : vector<256x2048xi1>, vector<256x2048xi32>
    %reduce_min3A_68 = arith.constant dense<2147483647> : vector<256xi32>
    %reduce_min3A_69 = vector.multi_reduction <minsi>, %select_n3A_67, %reduce_min3A_68 [1] : vector<256x2048xi32> to vector<256xi32>
    %broadcast_in_dim3A_70 = vector.shape_cast %reduce_min3A_69 : vector<256xi32> to vector<256x1xi32>
    %eq3A_71 = vector.broadcast %broadcast_in_dim3A_70 : vector<256x1xi32> to vector<256x2048xi32>
    %eq3A_72 = arith.cmpi eq, %iota3A, %eq3A_71 : vector<256x2048xi32>
    %jit3A_73 = arith.constant 0xFF800000 : f32
    %broadcast_in_dim3A_74 = vector.broadcast %jit3A_73 : f32 to vector<256x2048xf32>
    %select_n3A_75 = arith.select %eq3A_72, %broadcast_in_dim3A_74, %select_n3A_59 : vector<256x2048xi1>, vector<256x2048xf32>
    %reduce_max3A_76 = arith.constant dense<0xFF800000> : vector<256xf32>
    %reduce_max3A_77 = vector.multi_reduction <maximumf>, %select_n3A_75, %reduce_max3A_76 [1] : vector<256x2048xf32> to vector<256xf32>
    %broadcast_in_dim3A_78 = vector.shape_cast %reduce_max3A_77 : vector<256xf32> to vector<256x1xf32>
    %eq3A_79 = vector.broadcast %broadcast_in_dim3A_78 : vector<256x1xf32> to vector<256x2048xf32>
    %eq3A_80 = arith.cmpf oeq, %select_n3A_75, %eq3A_79 : vector<256x2048xf32>
    %jit3A_81 = arith.constant 2048 : i32
    %broadcast_in_dim3A_82 = vector.broadcast %jit3A_81 : i32 to vector<256x2048xi32>
    %select_n3A_83 = arith.select %eq3A_80, %iota3A, %broadcast_in_dim3A_82 : vector<256x2048xi1>, vector<256x2048xi32>
    %reduce_min3A_84 = arith.constant dense<2147483647> : vector<256xi32>
    %reduce_min3A_85 = vector.multi_reduction <minsi>, %select_n3A_83, %reduce_min3A_84 [1] : vector<256x2048xi32> to vector<256xi32>
    %broadcast_in_dim3A_86 = vector.shape_cast %reduce_min3A_85 : vector<256xi32> to vector<256x1xi32>
    %eq3A_87 = vector.broadcast %broadcast_in_dim3A_86 : vector<256x1xi32> to vector<256x2048xi32>
    %eq3A_88 = arith.cmpi eq, %iota3A, %eq3A_87 : vector<256x2048xi32>
    %jit3A_89 = arith.constant 0xFF800000 : f32
    %broadcast_in_dim3A_90 = vector.broadcast %jit3A_89 : f32 to vector<256x2048xf32>
    %select_n3A_91 = arith.select %eq3A_88, %broadcast_in_dim3A_90, %select_n3A_75 : vector<256x2048xi1>, vector<256x2048xf32>
    %reduce_max3A_92 = arith.constant dense<0xFF800000> : vector<256xf32>
    %reduce_max3A_93 = vector.multi_reduction <maximumf>, %select_n3A_91, %reduce_max3A_92 [1] : vector<256x2048xf32> to vector<256xf32>
    %broadcast_in_dim3A_94 = vector.shape_cast %reduce_max3A_93 : vector<256xf32> to vector<256x1xf32>
    %eq3A_95 = vector.broadcast %broadcast_in_dim3A_94 : vector<256x1xf32> to vector<256x2048xf32>
    %eq3A_96 = arith.cmpf oeq, %select_n3A_91, %eq3A_95 : vector<256x2048xf32>
    %jit3A_97 = arith.constant 2048 : i32
    %broadcast_in_dim3A_98 = vector.broadcast %jit3A_97 : i32 to vector<256x2048xi32>
    %select_n3A_99 = arith.select %eq3A_96, %iota3A, %broadcast_in_dim3A_98 : vector<256x2048xi1>, vector<256x2048xi32>
    %reduce_min3A_100 = arith.constant dense<2147483647> : vector<256xi32>
    %reduce_min3A_101 = vector.multi_reduction <minsi>, %select_n3A_99, %reduce_min3A_100 [1] : vector<256x2048xi32> to vector<256xi32>
    %broadcast_in_dim3A_102 = vector.shape_cast %reduce_min3A_101 : vector<256xi32> to vector<256x1xi32>
    %eq3A_103 = vector.broadcast %broadcast_in_dim3A_102 : vector<256x1xi32> to vector<256x2048xi32>
    %eq3A_104 = arith.cmpi eq, %iota3A, %eq3A_103 : vector<256x2048xi32>
    %jit3A_105 = arith.constant 0xFF800000 : f32
    %broadcast_in_dim3A_106 = vector.broadcast %jit3A_105 : f32 to vector<256x2048xf32>
    %select_n3A_107 = arith.select %eq3A_104, %broadcast_in_dim3A_106, %select_n3A_91 : vector<256x2048xi1>, vector<256x2048xf32>
    %reduce_max3A_108 = arith.constant dense<0xFF800000> : vector<256xf32>
    %reduce_max3A_109 = vector.multi_reduction <maximumf>, %select_n3A_107, %reduce_max3A_108 [1] : vector<256x2048xf32> to vector<256xf32>
    %broadcast_in_dim3A_110 = vector.shape_cast %reduce_max3A_109 : vector<256xf32> to vector<256x1xf32>
    %eq3A_111 = vector.broadcast %broadcast_in_dim3A_110 : vector<256x1xf32> to vector<256x2048xf32>
    %eq3A_112 = arith.cmpf oeq, %select_n3A_107, %eq3A_111 : vector<256x2048xf32>
    %jit3A_113 = arith.constant 2048 : i32
    %broadcast_in_dim3A_114 = vector.broadcast %jit3A_113 : i32 to vector<256x2048xi32>
    %select_n3A_115 = arith.select %eq3A_112, %iota3A, %broadcast_in_dim3A_114 : vector<256x2048xi1>, vector<256x2048xi32>
    %reduce_min3A_116 = arith.constant dense<2147483647> : vector<256xi32>
    %reduce_min3A_117 = vector.multi_reduction <minsi>, %select_n3A_115, %reduce_min3A_116 [1] : vector<256x2048xi32> to vector<256xi32>
    %broadcast_in_dim3A_118 = vector.shape_cast %reduce_min3A_117 : vector<256xi32> to vector<256x1xi32>
    %eq3A_119 = vector.broadcast %broadcast_in_dim3A_118 : vector<256x1xi32> to vector<256x2048xi32>
    %eq3A_120 = arith.cmpi eq, %iota3A, %eq3A_119 : vector<256x2048xi32>
    %jit3A_121 = arith.constant 0xFF800000 : f32
    %broadcast_in_dim3A_122 = vector.broadcast %jit3A_121 : f32 to vector<256x2048xf32>
    %select_n3A_123 = arith.select %eq3A_120, %broadcast_in_dim3A_122, %select_n3A_107 : vector<256x2048xi1>, vector<256x2048xf32>
    %reduce_max3A_124 = arith.constant dense<0xFF800000> : vector<256xf32>
    %reduce_max3A_125 = vector.multi_reduction <maximumf>, %select_n3A_123, %reduce_max3A_124 [1] : vector<256x2048xf32> to vector<256xf32>
    %broadcast_in_dim3A_126 = vector.shape_cast %reduce_max3A_125 : vector<256xf32> to vector<256x1xf32>
    %eq3A_127 = vector.broadcast %broadcast_in_dim3A_126 : vector<256x1xf32> to vector<256x2048xf32>
    %eq3A_128 = arith.cmpf oeq, %select_n3A_123, %eq3A_127 : vector<256x2048xf32>
    %jit3A_129 = arith.constant 2048 : i32
    %broadcast_in_dim3A_130 = vector.broadcast %jit3A_129 : i32 to vector<256x2048xi32>
    %select_n3A_131 = arith.select %eq3A_128, %iota3A, %broadcast_in_dim3A_130 : vector<256x2048xi1>, vector<256x2048xi32>
    %reduce_min3A_132 = arith.constant dense<2147483647> : vector<256xi32>
    %reduce_min3A_133 = vector.multi_reduction <minsi>, %select_n3A_131, %reduce_min3A_132 [1] : vector<256x2048xi32> to vector<256xi32>
    %broadcast_in_dim3A_134 = vector.shape_cast %reduce_min3A_133 : vector<256xi32> to vector<256x1xi32>
    %eq3A_135 = vector.broadcast %broadcast_in_dim3A_134 : vector<256x1xi32> to vector<256x2048xi32>
    %eq3A_136 = arith.cmpi eq, %iota3A, %eq3A_135 : vector<256x2048xi32>
    %jit3A_137 = arith.constant 0xFF800000 : f32
    %broadcast_in_dim3A_138 = vector.broadcast %jit3A_137 : f32 to vector<256x2048xf32>
    %select_n3A_139 = arith.select %eq3A_136, %broadcast_in_dim3A_138, %select_n3A_123 : vector<256x2048xi1>, vector<256x2048xf32>
    %reduce_max3A_140 = arith.constant dense<0xFF800000> : vector<256xf32>
    %reduce_max3A_141 = vector.multi_reduction <maximumf>, %select_n3A_139, %reduce_max3A_140 [1] : vector<256x2048xf32> to vector<256xf32>
    %broadcast_in_dim3A_142 = vector.shape_cast %reduce_max3A_141 : vector<256xf32> to vector<256x1xf32>
    %eq3A_143 = vector.broadcast %broadcast_in_dim3A_142 : vector<256x1xf32> to vector<256x2048xf32>
    %eq3A_144 = arith.cmpf oeq, %select_n3A_139, %eq3A_143 : vector<256x2048xf32>
    %jit3A_145 = arith.constant 2048 : i32
    %broadcast_in_dim3A_146 = vector.broadcast %jit3A_145 : i32 to vector<256x2048xi32>
    %select_n3A_147 = arith.select %eq3A_144, %iota3A, %broadcast_in_dim3A_146 : vector<256x2048xi1>, vector<256x2048xi32>
    %reduce_min3A_148 = arith.constant dense<2147483647> : vector<256xi32>
    %reduce_min3A_149 = vector.multi_reduction <minsi>, %select_n3A_147, %reduce_min3A_148 [1] : vector<256x2048xi32> to vector<256xi32>
    %broadcast_in_dim3A_150 = vector.shape_cast %reduce_min3A_149 : vector<256xi32> to vector<256x1xi32>
    %eq3A_151 = vector.broadcast %broadcast_in_dim3A_150 : vector<256x1xi32> to vector<256x2048xi32>
    %eq3A_152 = arith.cmpi eq, %iota3A, %eq3A_151 : vector<256x2048xi32>
    %jit3A_153 = arith.constant 0xFF800000 : f32
    %broadcast_in_dim3A_154 = vector.broadcast %jit3A_153 : f32 to vector<256x2048xf32>
    %select_n3A_155 = arith.select %eq3A_152, %broadcast_in_dim3A_154, %select_n3A_139 : vector<256x2048xi1>, vector<256x2048xf32>
    %reduce_max3A_156 = arith.constant dense<0xFF800000> : vector<256xf32>
    %reduce_max3A_157 = vector.multi_reduction <maximumf>, %select_n3A_155, %reduce_max3A_156 [1] : vector<256x2048xf32> to vector<256xf32>
    %broadcast_in_dim3A_158 = vector.shape_cast %reduce_max3A_157 : vector<256xf32> to vector<256x1xf32>
    %eq3A_159 = vector.broadcast %broadcast_in_dim3A_158 : vector<256x1xf32> to vector<256x2048xf32>
    %eq3A_160 = arith.cmpf oeq, %select_n3A_155, %eq3A_159 : vector<256x2048xf32>
    %jit3A_161 = arith.constant 2048 : i32
    %broadcast_in_dim3A_162 = vector.broadcast %jit3A_161 : i32 to vector<256x2048xi32>
    %select_n3A_163 = arith.select %eq3A_160, %iota3A, %broadcast_in_dim3A_162 : vector<256x2048xi1>, vector<256x2048xi32>
    %reduce_min3A_164 = arith.constant dense<2147483647> : vector<256xi32>
    %reduce_min3A_165 = vector.multi_reduction <minsi>, %select_n3A_163, %reduce_min3A_164 [1] : vector<256x2048xi32> to vector<256xi32>
    %broadcast_in_dim3A_166 = vector.shape_cast %reduce_min3A_165 : vector<256xi32> to vector<256x1xi32>
    %eq3A_167 = vector.broadcast %broadcast_in_dim3A_166 : vector<256x1xi32> to vector<256x2048xi32>
    %eq3A_168 = arith.cmpi eq, %iota3A, %eq3A_167 : vector<256x2048xi32>
    %jit3A_169 = arith.constant 0xFF800000 : f32
    %broadcast_in_dim3A_170 = vector.broadcast %jit3A_169 : f32 to vector<256x2048xf32>
    %select_n3A_171 = arith.select %eq3A_168, %broadcast_in_dim3A_170, %select_n3A_155 : vector<256x2048xi1>, vector<256x2048xf32>
    %reduce_max3A_172 = arith.constant dense<0xFF800000> : vector<256xf32>
    %reduce_max3A_173 = vector.multi_reduction <maximumf>, %select_n3A_171, %reduce_max3A_172 [1] : vector<256x2048xf32> to vector<256xf32>
    %broadcast_in_dim3A_174 = vector.shape_cast %reduce_max3A_173 : vector<256xf32> to vector<256x1xf32>
    %eq3A_175 = vector.broadcast %broadcast_in_dim3A_174 : vector<256x1xf32> to vector<256x2048xf32>
    %eq3A_176 = arith.cmpf oeq, %select_n3A_171, %eq3A_175 : vector<256x2048xf32>
    %jit3A_177 = arith.constant 2048 : i32
    %broadcast_in_dim3A_178 = vector.broadcast %jit3A_177 : i32 to vector<256x2048xi32>
    %select_n3A_179 = arith.select %eq3A_176, %iota3A, %broadcast_in_dim3A_178 : vector<256x2048xi1>, vector<256x2048xi32>
    %reduce_min3A_180 = arith.constant dense<2147483647> : vector<256xi32>
    %reduce_min3A_181 = vector.multi_reduction <minsi>, %select_n3A_179, %reduce_min3A_180 [1] : vector<256x2048xi32> to vector<256xi32>
    %broadcast_in_dim3A_182 = vector.shape_cast %reduce_min3A_181 : vector<256xi32> to vector<256x1xi32>
    %eq3A_183 = vector.broadcast %broadcast_in_dim3A_182 : vector<256x1xi32> to vector<256x2048xi32>
    %eq3A_184 = arith.cmpi eq, %iota3A, %eq3A_183 : vector<256x2048xi32>
    %jit3A_185 = arith.constant 0xFF800000 : f32
    %broadcast_in_dim3A_186 = vector.broadcast %jit3A_185 : f32 to vector<256x2048xf32>
    %select_n3A_187 = arith.select %eq3A_184, %broadcast_in_dim3A_186, %select_n3A_171 : vector<256x2048xi1>, vector<256x2048xf32>
    %reduce_max3A_188 = arith.constant dense<0xFF800000> : vector<256xf32>
    %reduce_max3A_189 = vector.multi_reduction <maximumf>, %select_n3A_187, %reduce_max3A_188 [1] : vector<256x2048xf32> to vector<256xf32>
    %broadcast_in_dim3A_190 = vector.shape_cast %reduce_max3A_189 : vector<256xf32> to vector<256x1xf32>
    %eq3A_191 = vector.broadcast %broadcast_in_dim3A_190 : vector<256x1xf32> to vector<256x2048xf32>
    %eq3A_192 = arith.cmpf oeq, %select_n3A_187, %eq3A_191 : vector<256x2048xf32>
    %jit3A_193 = arith.constant 2048 : i32
    %broadcast_in_dim3A_194 = vector.broadcast %jit3A_193 : i32 to vector<256x2048xi32>
    %select_n3A_195 = arith.select %eq3A_192, %iota3A, %broadcast_in_dim3A_194 : vector<256x2048xi1>, vector<256x2048xi32>
    %reduce_min3A_196 = arith.constant dense<2147483647> : vector<256xi32>
    %reduce_min3A_197 = vector.multi_reduction <minsi>, %select_n3A_195, %reduce_min3A_196 [1] : vector<256x2048xi32> to vector<256xi32>
    %broadcast_in_dim3A_198 = vector.shape_cast %reduce_min3A_197 : vector<256xi32> to vector<256x1xi32>
    %eq3A_199 = vector.broadcast %broadcast_in_dim3A_198 : vector<256x1xi32> to vector<256x2048xi32>
    %eq3A_200 = arith.cmpi eq, %iota3A, %eq3A_199 : vector<256x2048xi32>
    %jit3A_201 = arith.constant 0xFF800000 : f32
    %broadcast_in_dim3A_202 = vector.broadcast %jit3A_201 : f32 to vector<256x2048xf32>
    %select_n3A_203 = arith.select %eq3A_200, %broadcast_in_dim3A_202, %select_n3A_187 : vector<256x2048xi1>, vector<256x2048xf32>
    %reduce_max3A_204 = arith.constant dense<0xFF800000> : vector<256xf32>
    %reduce_max3A_205 = vector.multi_reduction <maximumf>, %select_n3A_203, %reduce_max3A_204 [1] : vector<256x2048xf32> to vector<256xf32>
    %broadcast_in_dim3A_206 = vector.shape_cast %reduce_max3A_205 : vector<256xf32> to vector<256x1xf32>
    %eq3A_207 = vector.broadcast %broadcast_in_dim3A_206 : vector<256x1xf32> to vector<256x2048xf32>
    %eq3A_208 = arith.cmpf oeq, %select_n3A_203, %eq3A_207 : vector<256x2048xf32>
    %jit3A_209 = arith.constant 2048 : i32
    %broadcast_in_dim3A_210 = vector.broadcast %jit3A_209 : i32 to vector<256x2048xi32>
    %select_n3A_211 = arith.select %eq3A_208, %iota3A, %broadcast_in_dim3A_210 : vector<256x2048xi1>, vector<256x2048xi32>
    %reduce_min3A_212 = arith.constant dense<2147483647> : vector<256xi32>
    %reduce_min3A_213 = vector.multi_reduction <minsi>, %select_n3A_211, %reduce_min3A_212 [1] : vector<256x2048xi32> to vector<256xi32>
    %broadcast_in_dim3A_214 = vector.shape_cast %reduce_min3A_213 : vector<256xi32> to vector<256x1xi32>
    %eq3A_215 = vector.broadcast %broadcast_in_dim3A_214 : vector<256x1xi32> to vector<256x2048xi32>
    %eq3A_216 = arith.cmpi eq, %iota3A, %eq3A_215 : vector<256x2048xi32>
    %jit3A_217 = arith.constant 0xFF800000 : f32
    %broadcast_in_dim3A_218 = vector.broadcast %jit3A_217 : f32 to vector<256x2048xf32>
    %select_n3A_219 = arith.select %eq3A_216, %broadcast_in_dim3A_218, %select_n3A_203 : vector<256x2048xi1>, vector<256x2048xf32>
    %reduce_max3A_220 = arith.constant dense<0xFF800000> : vector<256xf32>
    %reduce_max3A_221 = vector.multi_reduction <maximumf>, %select_n3A_219, %reduce_max3A_220 [1] : vector<256x2048xf32> to vector<256xf32>
    %broadcast_in_dim3A_222 = vector.shape_cast %reduce_max3A_221 : vector<256xf32> to vector<256x1xf32>
    %eq3A_223 = vector.broadcast %broadcast_in_dim3A_222 : vector<256x1xf32> to vector<256x2048xf32>
    %eq3A_224 = arith.cmpf oeq, %select_n3A_219, %eq3A_223 : vector<256x2048xf32>
    %jit3A_225 = arith.constant 2048 : i32
    %broadcast_in_dim3A_226 = vector.broadcast %jit3A_225 : i32 to vector<256x2048xi32>
    %select_n3A_227 = arith.select %eq3A_224, %iota3A, %broadcast_in_dim3A_226 : vector<256x2048xi1>, vector<256x2048xi32>
    %reduce_min3A_228 = arith.constant dense<2147483647> : vector<256xi32>
    %reduce_min3A_229 = vector.multi_reduction <minsi>, %select_n3A_227, %reduce_min3A_228 [1] : vector<256x2048xi32> to vector<256xi32>
    %broadcast_in_dim3A_230 = vector.shape_cast %reduce_min3A_229 : vector<256xi32> to vector<256x1xi32>
    %concatenate3A = tpu.concatenate %broadcast_in_dim3A, %broadcast_in_dim3A_14, %broadcast_in_dim3A_30, %broadcast_in_dim3A_46, %broadcast_in_dim3A_62, %broadcast_in_dim3A_78, %broadcast_in_dim3A_94, %broadcast_in_dim3A_110, %broadcast_in_dim3A_126, %broadcast_in_dim3A_142, %broadcast_in_dim3A_158, %broadcast_in_dim3A_174, %broadcast_in_dim3A_190, %broadcast_in_dim3A_206, %broadcast_in_dim3A_222 in 1 : vector<256x1xf32>, vector<256x1xf32>, vector<256x1xf32>, vector<256x1xf32>, vector<256x1xf32>, vector<256x1xf32>, vector<256x1xf32>, vector<256x1xf32>, vector<256x1xf32>, vector<256x1xf32>, vector<256x1xf32>, vector<256x1xf32>, vector<256x1xf32>, vector<256x1xf32>, vector<256x1xf32> -> vector<256x15xf32>
    %reduce_max3A_231 = arith.constant dense<0xFF800000> : vector<256xf32>
    %reduce_max3A_232 = vector.multi_reduction <maximumf>, %concatenate3A, %reduce_max3A_231 [1] : vector<256x15xf32> to vector<256xf32>
    %max3A = arith.constant 0xFF800000 : f32
    %max3A_233 = vector.broadcast %max3A : f32 to vector<256xf32>
    %max3A_234 = arith.maximumf %max3A_233, %reduce_max3A_232 : vector<256xf32>
    %broadcast_in_dim3A_235 = vector.shape_cast %max3A_234 : vector<256xf32> to vector<256x1xf32>
    %sub3A = vector.broadcast %broadcast_in_dim3A_235 : vector<256x1xf32> to vector<256x15xf32>
    %sub3A_236 = arith.subf %concatenate3A, %sub3A : vector<256x15xf32>
    %exp3A = math.exp %sub3A_236 : vector<256x15xf32>
    %reduce_sum3A = arith.constant dense<0.000000e+00> : vector<256xf32>
    %reduce_sum3A_237 = vector.multi_reduction <add>, %exp3A, %reduce_sum3A [1] : vector<256x15xf32> to vector<256xf32>
    %broadcast_in_dim3A_238 = vector.shape_cast %reduce_sum3A_237 : vector<256xf32> to vector<256x1xf32>
    %div3A = vector.broadcast %broadcast_in_dim3A_238 : vector<256x1xf32> to vector<256x15xf32>
    %div3A_239 = arith.divf %exp3A, %div3A : vector<256x15xf32>
    %broadcast_in_dim3A_240 = arith.constant 0.000000e+00 : f32
    %broadcast_in_dim3A_241 = vector.broadcast %broadcast_in_dim3A_240 : f32 to vector<256x2048xf32>
    %eq3A_242 = vector.broadcast %broadcast_in_dim3A_6 : vector<256x1xi32> to vector<256x2048xi32>
    %eq3A_243 = arith.cmpi eq, %iota3A, %eq3A_242 : vector<256x2048xi32>
    %slice3A = vector.extract_strided_slice %div3A_239 {offsets = [0, 0], sizes = [256, 1], strides = [1, 1]} : vector<256x15xf32> to vector<256x1xf32>
    %jit3A_244 = arith.constant 0.000000e+00 : f32
    %broadcast_in_dim3A_245 = vector.shape_cast %slice3A : vector<256x1xf32> to vector<256x1xf32>
    %broadcast_in_dim3A_246 = vector.broadcast %broadcast_in_dim3A_245 : vector<256x1xf32> to vector<256x2048xf32>
    %broadcast_in_dim3A_247 = vector.broadcast %jit3A_244 : f32 to vector<256x2048xf32>
    %select_n3A_248 = arith.select %eq3A_243, %broadcast_in_dim3A_246, %broadcast_in_dim3A_247 : vector<256x2048xi1>, vector<256x2048xf32>
    %add3A = arith.addf %broadcast_in_dim3A_241, %select_n3A_248 : vector<256x2048xf32>
    %eq3A_249 = vector.broadcast %broadcast_in_dim3A_22 : vector<256x1xi32> to vector<256x2048xi32>
    %eq3A_250 = arith.cmpi eq, %iota3A, %eq3A_249 : vector<256x2048xi32>
    %slice3A_251 = vector.extract_strided_slice %div3A_239 {offsets = [0, 1], sizes = [256, 1], strides = [1, 1]} : vector<256x15xf32> to vector<256x1xf32>
    %jit3A_252 = arith.constant 0.000000e+00 : f32
    %broadcast_in_dim3A_253 = vector.shape_cast %slice3A_251 : vector<256x1xf32> to vector<256x1xf32>
    %broadcast_in_dim3A_254 = vector.broadcast %broadcast_in_dim3A_253 : vector<256x1xf32> to vector<256x2048xf32>
    %broadcast_in_dim3A_255 = vector.broadcast %jit3A_252 : f32 to vector<256x2048xf32>
    %select_n3A_256 = arith.select %eq3A_250, %broadcast_in_dim3A_254, %broadcast_in_dim3A_255 : vector<256x2048xi1>, vector<256x2048xf32>
    %add3A_257 = arith.addf %add3A, %select_n3A_256 : vector<256x2048xf32>
    %eq3A_258 = vector.broadcast %broadcast_in_dim3A_38 : vector<256x1xi32> to vector<256x2048xi32>
    %eq3A_259 = arith.cmpi eq, %iota3A, %eq3A_258 : vector<256x2048xi32>
    %slice3A_260 = vector.extract_strided_slice %div3A_239 {offsets = [0, 2], sizes = [256, 1], strides = [1, 1]} : vector<256x15xf32> to vector<256x1xf32>
    %jit3A_261 = arith.constant 0.000000e+00 : f32
    %broadcast_in_dim3A_262 = vector.shape_cast %slice3A_260 : vector<256x1xf32> to vector<256x1xf32>
    %broadcast_in_dim3A_263 = vector.broadcast %broadcast_in_dim3A_262 : vector<256x1xf32> to vector<256x2048xf32>
    %broadcast_in_dim3A_264 = vector.broadcast %jit3A_261 : f32 to vector<256x2048xf32>
    %select_n3A_265 = arith.select %eq3A_259, %broadcast_in_dim3A_263, %broadcast_in_dim3A_264 : vector<256x2048xi1>, vector<256x2048xf32>
    %add3A_266 = arith.addf %add3A_257, %select_n3A_265 : vector<256x2048xf32>
    %eq3A_267 = vector.broadcast %broadcast_in_dim3A_54 : vector<256x1xi32> to vector<256x2048xi32>
    %eq3A_268 = arith.cmpi eq, %iota3A, %eq3A_267 : vector<256x2048xi32>
    %slice3A_269 = vector.extract_strided_slice %div3A_239 {offsets = [0, 3], sizes = [256, 1], strides = [1, 1]} : vector<256x15xf32> to vector<256x1xf32>
    %jit3A_270 = arith.constant 0.000000e+00 : f32
    %broadcast_in_dim3A_271 = vector.shape_cast %slice3A_269 : vector<256x1xf32> to vector<256x1xf32>
    %broadcast_in_dim3A_272 = vector.broadcast %broadcast_in_dim3A_271 : vector<256x1xf32> to vector<256x2048xf32>
    %broadcast_in_dim3A_273 = vector.broadcast %jit3A_270 : f32 to vector<256x2048xf32>
    %select_n3A_274 = arith.select %eq3A_268, %broadcast_in_dim3A_272, %broadcast_in_dim3A_273 : vector<256x2048xi1>, vector<256x2048xf32>
    %add3A_275 = arith.addf %add3A_266, %select_n3A_274 : vector<256x2048xf32>
    %eq3A_276 = vector.broadcast %broadcast_in_dim3A_70 : vector<256x1xi32> to vector<256x2048xi32>
    %eq3A_277 = arith.cmpi eq, %iota3A, %eq3A_276 : vector<256x2048xi32>
    %slice3A_278 = vector.extract_strided_slice %div3A_239 {offsets = [0, 4], sizes = [256, 1], strides = [1, 1]} : vector<256x15xf32> to vector<256x1xf32>
    %jit3A_279 = arith.constant 0.000000e+00 : f32
    %broadcast_in_dim3A_280 = vector.shape_cast %slice3A_278 : vector<256x1xf32> to vector<256x1xf32>
    %broadcast_in_dim3A_281 = vector.broadcast %broadcast_in_dim3A_280 : vector<256x1xf32> to vector<256x2048xf32>
    %broadcast_in_dim3A_282 = vector.broadcast %jit3A_279 : f32 to vector<256x2048xf32>
    %select_n3A_283 = arith.select %eq3A_277, %broadcast_in_dim3A_281, %broadcast_in_dim3A_282 : vector<256x2048xi1>, vector<256x2048xf32>
    %add3A_284 = arith.addf %add3A_275, %select_n3A_283 : vector<256x2048xf32>
    %eq3A_285 = vector.broadcast %broadcast_in_dim3A_86 : vector<256x1xi32> to vector<256x2048xi32>
    %eq3A_286 = arith.cmpi eq, %iota3A, %eq3A_285 : vector<256x2048xi32>
    %slice3A_287 = vector.extract_strided_slice %div3A_239 {offsets = [0, 5], sizes = [256, 1], strides = [1, 1]} : vector<256x15xf32> to vector<256x1xf32>
    %jit3A_288 = arith.constant 0.000000e+00 : f32
    %broadcast_in_dim3A_289 = vector.shape_cast %slice3A_287 : vector<256x1xf32> to vector<256x1xf32>
    %broadcast_in_dim3A_290 = vector.broadcast %broadcast_in_dim3A_289 : vector<256x1xf32> to vector<256x2048xf32>
    %broadcast_in_dim3A_291 = vector.broadcast %jit3A_288 : f32 to vector<256x2048xf32>
    %select_n3A_292 = arith.select %eq3A_286, %broadcast_in_dim3A_290, %broadcast_in_dim3A_291 : vector<256x2048xi1>, vector<256x2048xf32>
    %add3A_293 = arith.addf %add3A_284, %select_n3A_292 : vector<256x2048xf32>
    %eq3A_294 = vector.broadcast %broadcast_in_dim3A_102 : vector<256x1xi32> to vector<256x2048xi32>
    %eq3A_295 = arith.cmpi eq, %iota3A, %eq3A_294 : vector<256x2048xi32>
    %slice3A_296 = vector.extract_strided_slice %div3A_239 {offsets = [0, 6], sizes = [256, 1], strides = [1, 1]} : vector<256x15xf32> to vector<256x1xf32>
    %jit3A_297 = arith.constant 0.000000e+00 : f32
    %broadcast_in_dim3A_298 = vector.shape_cast %slice3A_296 : vector<256x1xf32> to vector<256x1xf32>
    %broadcast_in_dim3A_299 = vector.broadcast %broadcast_in_dim3A_298 : vector<256x1xf32> to vector<256x2048xf32>
    %broadcast_in_dim3A_300 = vector.broadcast %jit3A_297 : f32 to vector<256x2048xf32>
    %select_n3A_301 = arith.select %eq3A_295, %broadcast_in_dim3A_299, %broadcast_in_dim3A_300 : vector<256x2048xi1>, vector<256x2048xf32>
    %add3A_302 = arith.addf %add3A_293, %select_n3A_301 : vector<256x2048xf32>
    %eq3A_303 = vector.broadcast %broadcast_in_dim3A_118 : vector<256x1xi32> to vector<256x2048xi32>
    %eq3A_304 = arith.cmpi eq, %iota3A, %eq3A_303 : vector<256x2048xi32>
    %slice3A_305 = vector.extract_strided_slice %div3A_239 {offsets = [0, 7], sizes = [256, 1], strides = [1, 1]} : vector<256x15xf32> to vector<256x1xf32>
    %jit3A_306 = arith.constant 0.000000e+00 : f32
    %broadcast_in_dim3A_307 = vector.shape_cast %slice3A_305 : vector<256x1xf32> to vector<256x1xf32>
    %broadcast_in_dim3A_308 = vector.broadcast %broadcast_in_dim3A_307 : vector<256x1xf32> to vector<256x2048xf32>
    %broadcast_in_dim3A_309 = vector.broadcast %jit3A_306 : f32 to vector<256x2048xf32>
    %select_n3A_310 = arith.select %eq3A_304, %broadcast_in_dim3A_308, %broadcast_in_dim3A_309 : vector<256x2048xi1>, vector<256x2048xf32>
    %add3A_311 = arith.addf %add3A_302, %select_n3A_310 : vector<256x2048xf32>
    %eq3A_312 = vector.broadcast %broadcast_in_dim3A_134 : vector<256x1xi32> to vector<256x2048xi32>
    %eq3A_313 = arith.cmpi eq, %iota3A, %eq3A_312 : vector<256x2048xi32>
    %slice3A_314 = vector.extract_strided_slice %div3A_239 {offsets = [0, 8], sizes = [256, 1], strides = [1, 1]} : vector<256x15xf32> to vector<256x1xf32>
    %jit3A_315 = arith.constant 0.000000e+00 : f32
    %broadcast_in_dim3A_316 = vector.shape_cast %slice3A_314 : vector<256x1xf32> to vector<256x1xf32>
    %broadcast_in_dim3A_317 = vector.broadcast %broadcast_in_dim3A_316 : vector<256x1xf32> to vector<256x2048xf32>
    %broadcast_in_dim3A_318 = vector.broadcast %jit3A_315 : f32 to vector<256x2048xf32>
    %select_n3A_319 = arith.select %eq3A_313, %broadcast_in_dim3A_317, %broadcast_in_dim3A_318 : vector<256x2048xi1>, vector<256x2048xf32>
    %add3A_320 = arith.addf %add3A_311, %select_n3A_319 : vector<256x2048xf32>
    %eq3A_321 = vector.broadcast %broadcast_in_dim3A_150 : vector<256x1xi32> to vector<256x2048xi32>
    %eq3A_322 = arith.cmpi eq, %iota3A, %eq3A_321 : vector<256x2048xi32>
    %slice3A_323 = vector.extract_strided_slice %div3A_239 {offsets = [0, 9], sizes = [256, 1], strides = [1, 1]} : vector<256x15xf32> to vector<256x1xf32>
    %jit3A_324 = arith.constant 0.000000e+00 : f32
    %broadcast_in_dim3A_325 = vector.shape_cast %slice3A_323 : vector<256x1xf32> to vector<256x1xf32>
    %broadcast_in_dim3A_326 = vector.broadcast %broadcast_in_dim3A_325 : vector<256x1xf32> to vector<256x2048xf32>
    %broadcast_in_dim3A_327 = vector.broadcast %jit3A_324 : f32 to vector<256x2048xf32>
    %select_n3A_328 = arith.select %eq3A_322, %broadcast_in_dim3A_326, %broadcast_in_dim3A_327 : vector<256x2048xi1>, vector<256x2048xf32>
    %add3A_329 = arith.addf %add3A_320, %select_n3A_328 : vector<256x2048xf32>
    %eq3A_330 = vector.broadcast %broadcast_in_dim3A_166 : vector<256x1xi32> to vector<256x2048xi32>
    %eq3A_331 = arith.cmpi eq, %iota3A, %eq3A_330 : vector<256x2048xi32>
    %slice3A_332 = vector.extract_strided_slice %div3A_239 {offsets = [0, 10], sizes = [256, 1], strides = [1, 1]} : vector<256x15xf32> to vector<256x1xf32>
    %jit3A_333 = arith.constant 0.000000e+00 : f32
    %broadcast_in_dim3A_334 = vector.shape_cast %slice3A_332 : vector<256x1xf32> to vector<256x1xf32>
    %broadcast_in_dim3A_335 = vector.broadcast %broadcast_in_dim3A_334 : vector<256x1xf32> to vector<256x2048xf32>
    %broadcast_in_dim3A_336 = vector.broadcast %jit3A_333 : f32 to vector<256x2048xf32>
    %select_n3A_337 = arith.select %eq3A_331, %broadcast_in_dim3A_335, %broadcast_in_dim3A_336 : vector<256x2048xi1>, vector<256x2048xf32>
    %add3A_338 = arith.addf %add3A_329, %select_n3A_337 : vector<256x2048xf32>
    %eq3A_339 = vector.broadcast %broadcast_in_dim3A_182 : vector<256x1xi32> to vector<256x2048xi32>
    %eq3A_340 = arith.cmpi eq, %iota3A, %eq3A_339 : vector<256x2048xi32>
    %slice3A_341 = vector.extract_strided_slice %div3A_239 {offsets = [0, 11], sizes = [256, 1], strides = [1, 1]} : vector<256x15xf32> to vector<256x1xf32>
    %jit3A_342 = arith.constant 0.000000e+00 : f32
    %broadcast_in_dim3A_343 = vector.shape_cast %slice3A_341 : vector<256x1xf32> to vector<256x1xf32>
    %broadcast_in_dim3A_344 = vector.broadcast %broadcast_in_dim3A_343 : vector<256x1xf32> to vector<256x2048xf32>
    %broadcast_in_dim3A_345 = vector.broadcast %jit3A_342 : f32 to vector<256x2048xf32>
    %select_n3A_346 = arith.select %eq3A_340, %broadcast_in_dim3A_344, %broadcast_in_dim3A_345 : vector<256x2048xi1>, vector<256x2048xf32>
    %add3A_347 = arith.addf %add3A_338, %select_n3A_346 : vector<256x2048xf32>
    %eq3A_348 = vector.broadcast %broadcast_in_dim3A_198 : vector<256x1xi32> to vector<256x2048xi32>
    %eq3A_349 = arith.cmpi eq, %iota3A, %eq3A_348 : vector<256x2048xi32>
    %slice3A_350 = vector.extract_strided_slice %div3A_239 {offsets = [0, 12], sizes = [256, 1], strides = [1, 1]} : vector<256x15xf32> to vector<256x1xf32>
    %jit3A_351 = arith.constant 0.000000e+00 : f32
    %broadcast_in_dim3A_352 = vector.shape_cast %slice3A_350 : vector<256x1xf32> to vector<256x1xf32>
    %broadcast_in_dim3A_353 = vector.broadcast %broadcast_in_dim3A_352 : vector<256x1xf32> to vector<256x2048xf32>
    %broadcast_in_dim3A_354 = vector.broadcast %jit3A_351 : f32 to vector<256x2048xf32>
    %select_n3A_355 = arith.select %eq3A_349, %broadcast_in_dim3A_353, %broadcast_in_dim3A_354 : vector<256x2048xi1>, vector<256x2048xf32>
    %add3A_356 = arith.addf %add3A_347, %select_n3A_355 : vector<256x2048xf32>
    %eq3A_357 = vector.broadcast %broadcast_in_dim3A_214 : vector<256x1xi32> to vector<256x2048xi32>
    %eq3A_358 = arith.cmpi eq, %iota3A, %eq3A_357 : vector<256x2048xi32>
    %slice3A_359 = vector.extract_strided_slice %div3A_239 {offsets = [0, 13], sizes = [256, 1], strides = [1, 1]} : vector<256x15xf32> to vector<256x1xf32>
    %jit3A_360 = arith.constant 0.000000e+00 : f32
    %broadcast_in_dim3A_361 = vector.shape_cast %slice3A_359 : vector<256x1xf32> to vector<256x1xf32>
    %broadcast_in_dim3A_362 = vector.broadcast %broadcast_in_dim3A_361 : vector<256x1xf32> to vector<256x2048xf32>
    %broadcast_in_dim3A_363 = vector.broadcast %jit3A_360 : f32 to vector<256x2048xf32>
    %select_n3A_364 = arith.select %eq3A_358, %broadcast_in_dim3A_362, %broadcast_in_dim3A_363 : vector<256x2048xi1>, vector<256x2048xf32>
    %add3A_365 = arith.addf %add3A_356, %select_n3A_364 : vector<256x2048xf32>
    %eq3A_366 = vector.broadcast %broadcast_in_dim3A_230 : vector<256x1xi32> to vector<256x2048xi32>
    %eq3A_367 = arith.cmpi eq, %iota3A, %eq3A_366 : vector<256x2048xi32>
    %slice3A_368 = vector.extract_strided_slice %div3A_239 {offsets = [0, 14], sizes = [256, 1], strides = [1, 1]} : vector<256x15xf32> to vector<256x1xf32>
    %jit3A_369 = arith.constant 0.000000e+00 : f32
    %broadcast_in_dim3A_370 = vector.shape_cast %slice3A_368 : vector<256x1xf32> to vector<256x1xf32>
    %broadcast_in_dim3A_371 = vector.broadcast %broadcast_in_dim3A_370 : vector<256x1xf32> to vector<256x2048xf32>
    %broadcast_in_dim3A_372 = vector.broadcast %jit3A_369 : f32 to vector<256x2048xf32>
    %select_n3A_373 = arith.select %eq3A_367, %broadcast_in_dim3A_371, %broadcast_in_dim3A_372 : vector<256x2048xi1>, vector<256x2048xf32>
    %add3A_374 = arith.addf %add3A_365, %select_n3A_373 : vector<256x2048xf32>
    %swap3A = arith.constant 0 : index
    %swap3A_375 = arith.constant 0 : index
    %swap3A_376 = vector.load %arg2[%swap3A, %swap3A_375] : memref<256x2048xf32, #tpu.memory_space<vmem>>, vector<256x2048xf32>
    tpu.vector_store %arg2[%swap3A, %swap3A_375], %add3A_374 {strides = array<i32>} : memref<256x2048xf32, #tpu.memory_space<vmem>>, vector<256x2048xf32>,
    return
  }
  func.func @transform_0(%arg0: i32) -> (i32, i32) {
    %c0_i32 = arith.constant 0 : i32
    %c0_i32_0 = arith.constant 0 : i32
    return %arg0, %c0_i32 : i32, i32
  }
  func.func @transform_1(%arg0: i32) -> (i32, i32) {
    %c0_i32 = arith.constant 0 : i32
    %c0_i32_0 = arith.constant 0 : i32
    return %arg0, %c0_i32 : i32, i32
  }
}

</mosaic_0001>

<sc_bundles>
// kernel: sparse-core-data-format-call.1.cloned.1.call-start
scs
called_computation.1_lowered:
.L_overlay_start_0:
0x0: {  	s2 =	sld [smem:$0x3FD9]  }
0x1: {  	s3 =	sld [smem:$0x3FFE];
	_ =	sdelay $0x1  }
0x2: {  	s1 =	srdreg.scid  }
0x3: {  	s0 =	sand.u32 $0x1, s1  }
0x4: {  	s18 =	sshll.u32 s0, $0xA;
	s2 =	sadd.s32 s3, s2  }
0x5: {  	s2 =	sadd.s32 s2, s18  }
0x6: {  	[smem:$0x3FC0] =	sst s2  }
0x7: {  	_ = 	snop  }
0x8: {  	s2 =	sld [smem:$0x3FD0];
	(tm) =	ssettm $0x1  }
0x9: {  	s19 =	sld [smem:$0x3FFB];
	_ =	sdelay $0x3  }
0xa: {  	_ =	strace s19  }
0xb: {  	s3 =	sld [smem:$0x3FFC];
	_ =	sdelay $0x3  }
0xc: {  	_ =	strace s3  }
0xd: {  	s3 =	sld [smem:$0x3FFD];
	_ =	sdelay $0x3  }
0xe: {  	_ =	strace s3  }
0xf: {  	_ =	strace $0x8FFFFFFF  }
0x10: {  	s20 =	sld [smem:$0x3FDB];
	_ =	sdelay $0x1  }
0x11: {  	s4 =	simm.s32 $_scs_section_size  }
0x12: {  	s5 =	simm.s32 $_size__tile_overlayer_lowered;
	s6 =	simm.s32 $_tile_overlayer_lowered  }
0x13: {  	s23 =	simm.s32 $0x1BFF;
	s22 =	sshll.u32 s6, $0x1;
	s3 =	sadd.s32 s4, s20  }
0x14: {  	s7 =	simm.s32 $0x0;
	s21 =	sshll.u32 s5, $0x1;
	s5 =	sadd.s32 s22, s3  }
0x15: {  	[timem:s7], [sflag:s23] =	dma.local [hbm:s5], s21  }
0x16: {  	_ =	swait.ge [sflag:s23], s21  }
0x17: {  	s4 =	ssub.s32 $0x0, s21;
	[sflag:s23] =	ssyncset.done $0x0  }
0x18: {  	[sflag:s23] =	ssyncadd.s32 s4;
	_ =	sdelay $0x1  }
0x19: {  	s24 =	simm.s32 $0x1B8B  }
0x1a: {  	_ =	swait.ge [sflag:s24], $0x1  }
0x1b: {  	[sflag:s24] =	ssyncset.done $0x0  }
0x1c: {  	s26 =	simm.s32 $0x1B8E;
	s25 =	sld [smem:$0x3FFE];
	[sflag:s24] =	ssyncadd.s32 $0xFFFFFFFF  }
0x1d: {  	s27 =	simm.s32 $execute0_lowered;
	[smem:$0x3FD2] =	sst s26  }
0x1e: {  	s5 =	sshll.u32 s27, $0x1;
	_ =	strace $0x8000004C;
	[dreg:$0x1] =	wrdreg $0xFFFFFFFF  }
0x1f: {  	s28 =	simm.s32 $_size_execute0_lowered;
	s3 =	sadd.s32 s3, s5;
	[dreg:$0x0] =	wrdreg $0x0  }
0x20: {  	s5 =	sshll.u32 s28, $0x1;
	[dreg:$0x2] =	wrdreg s3  }
0x21: {  	[dreg:$0x3] =	wrdreg s5  }
0x22: {  	[dreg:$0x4] =	wrdreg $0xC0  }
0x23: {  	_ =	task [dreg:s7], $0x5FFFF  }
0x24: {  	[dreg:$0x1] =	wrdreg $0xFFFFFFFF  }
0x25: {  	[dreg:$0x0] =	wrdreg $0x60  }
0x26: {  	[dreg:$0x2] =	wrdreg s2  }
0x27: {  	[dreg:$0x3] =	wrdreg s25  }
0x28: {  	[dreg:$0x4] =	wrdreg $0x9  }
0x29: {  	_ =	task.clear_ibuf [dreg:s7], $0x5FFFF;
	_ =	strace $0x9000004C  }
0x2a: {  	s29 =	simm.s32 $0x9;
	_ =	strace $0x8000004E  }
0x2b: {  	_ =	swait.ge [sflag:s29], $0x1  }
0x2c: {  	[sflag:s29] =	ssyncadd.s32 $0xFFFFFFFF  }
0x2d: {  	_ =	strace $0x9000004E  }
0x2e: {  	_ =	sfence  }
0x2f: {  	s30 =	sld [smem:$0x0];
	_ =	sdelay $0x2  }
0x30: {  	s31 =	sshll.u32 s1, $0xD;
	s1 =	sshrl.u32 s1, $0x2  }
0x31: {  	s3 =	sand.u32 $0x4000, s31;
	s1 =	sadd.s32 s1, s30  }
0x32: {  	s0 =	sor.u32 s3, s0;
	s1 =	sshll.u32 s1, $0x11  }
0x33: {  	s0 =	sor.u32 s1, s0  }
0x34: {  	s0 =	sadd.s32 $0x8F2B, s0  }
0x35: {  	[sflag:s0] =	ssyncadd.remote.s32 $0x1  }
0x36: {  	_ =	sfence.sel $0xFFFF  }
0x37: {  	[dreg:$0x0] =	wrdreg $0xFFFFFFFF;
	(pc) =	sbr.abs _section_cstart, $3  }
0x38: {  	[dreg:$0x1] =	wrdreg $0xFFFFFFFF  }
0x39: {  	_ =	task.clear_ibuf [dreg:s7], $0x2FFFF;
	_ =	strace $0x9FFFFFFF  }
0x3a: {  	(tm) =	ssettm $0x7FFFFFFF  }
0x3b: {  	_ =	shalt  }
tec
execute0_lowered:
.L_overlay_start_1:
0x0: {  	(tag) =	ssettag $0x1  }
0x1: {  	s1 =	srdreg.scid  }
0x2: {  	s0 =	stileid.u32;
	s2 =	rddreg [dreg:$0x0]  }
0x3: {  	s4 =	rddreg [dreg:$0x1];
	s8 =	simm.s32 $0x0;
	s1 =	sshll.u32 s1, $0x4  }
0x4: {  	s6 =	simm.s32 $0x1;
	s9 =	simm.s32 $0x2;
	s1 =	sor.u32 s0, s1  }
0x5: {  	s15 =	simm.s32 $0x0;
	s16 =	simm.s32 $0x0;
	s1 =	sshrl.u32 s1, $0x1  }
0x6: {  	s17 =	simm.s32 $0x0;
	s18 =	simm.s32 $0x0;
	s3 =	sand.u32 $0xE, s1  }
0x7: {  	s10 =	simm.s32 $0x0;
	s11 =	simm.s32 $0x0;
	s7 =	ssub.s32 $0x10, s3  }
0x8: {  	s14 =	simm.s32 $0x0;
	s1 =	rddreg [dreg:$0x2];
	s5 =	sand.u32 $0xE, s7  }
.Ltmp0:
0x9: {  	_ =	strace $0x8000004D;
	p0 =	seq.s32 s5, $0x0;
	(pc) =	sbr.rel .LBB1_1-.Ltmp0, $4  }
0xa: {  	s4 =	sadd.s32 $0x5A00, s4;
	[sflag:s6] =	ssyncpa.u1 $0x0;
	s8 =	simm.s32 @!p0 $0x10  }
0xb: {  	s12 =	smov.u32 s3;
	[sflag:s9] =	ssyncpa.u1 $0x0;
	s7 =	sadd.s32 s7, s8  }
0xc: {  	s9 =	simm.s32 $0x2000;
	s5 =	sand.u32 $0x3, s0;
	s7 =	sand.u32 $0x30, s7  }
0xd: {  	p0 =	por $0x0, $0x0;
	s13 =	smov.u32 s5;
	s8 =	sor.u32 $0x1, s7  }
.LBB1_7:
0xe: {  	s19 =	sadd.s32 $0x80, s10  }
0xf: {  	s15 =	sadd.s32 $0x40, s11;
	s20 =	smov.u32 s11;
	p2 =	sgt.s32 s19, $0x7FF  }
0x10: {  	s20 =	smov.u32 @p2 s15  }
0x11: {  	s21 =	smov.u32 s12;
	s15 =	sadd.s32 $0x10, s12;
	p3 =	sgt.s32 s20, $0x3F  }
0x12: {  	s21 =	smov.u32 @p3 s15  }
0x13: {  	s22 =	smov.u32 s13;
	s15 =	sadd.s32 $0x4, s13;
	p4 =	sgt.s32 s21, $0xF  }
0x14: {  	p1 =	slt.u32 s14, $0x2;
	s22 =	smov.u32 @p4 s15  }
0x15: {  	s16 =	smov.u32 s11;
	s19 =	simm.s32 @p2 $0x0;
	p2 =	sgt.s32 s22, $0x3  }
0x16: {  	s23 =	simm.s32 @!p1 $0x2;
	s22 =	smov.u32 @p2 s5;
	p2 =	sne.s32 s14, s8  }
.Ltmp1:
0x17: {  	s17 =	smov.u32 s12;
	_ =	swait.ge @!p1 [sflag:s23], $0x4000;
	(pc) =	sbr.rel @!p2 .LBB1_8-.Ltmp1, $4  }
0x18: {  	s18 =	smov.u32 s13;
	[sflag:s23] =	ssyncset.done @!p1 $0x0;
	s20 =	simm.s32 @p3 $0x0  }
0x19: {  	p0 =	por !p0, !p0;
	[sflag:s23] =	ssyncadd.s32 @!p1 $0xFFFFC000;
	s11 =	smov.u32 s20  }
0x1a: {  	s21 =	smov.u32 @p4 s3;
	s15 =	smov.u32 s10;
	s10 =	smov.u32 s19  }
0x1b: {  	s12 =	smov.u32 s21;
	s14 =	sadd.s32 $0x1, s14;
	s13 =	smov.u32 s22  }
.LBB1_1:
0x1c: {  	p1 =	sge.u32 s14, s7  }
0x1d: {  	s31 =	sadd.s32 $0xFFFFFFFF, s14;
	s19 =	sxor.u32 @!p1 $0xFFFFFFFF, s14;
	s20 =	sand.u32 @!p1 $0x78, s10  }
0x1e: {  	s21 =	sshll.u32 @!p1 s11, $0x7;
	s22 =	sshll.u32 @!p1 s11, $0xB;
	s23 =	sshll.u32 @!p1 s10, $0x3  }
0x1f: {  	s19 =	sshll.u32 @!p1 s19, $0xE;
	s21 =	sand.u32 @!p1 $0x380, s21;
	s22 =	sand.u32 @!p1 $0x1C000, s22  }
0x20: {  	s19 =	sand.u32 @!p1 $0x4000, s19;
	s20 =	sor.u32 @!p1 s21, s20;
	s21 =	sand.u32 @!p1 $0x400, s23  }
0x21: {  	s22 =	sadd.s32 @!p1 s22, s23;
	s20 =	sor.u32 @!p1 s21, s20;
	s21 =	sshll.u32 @!p1 s13, $0x12  }
0x22: {  	s23 =	sshll.u32 @!p1 s12, $0xE;
	s22 =	sshrl.u32 @!p1 s22, $0x3;
	s21 =	sadd.s32 @!p1 s2, s21  }
0x23: {  	s22 =	sand.u32 @!p1 $0x3F00, s22;
	s21 =	sadd.s32 @!p1 s23, s21;
	s23 =	sand.u32 @!p1 $0x7, s10  }
0x24: {  	s20 =	sshrl.u32 @!p1 s20, $0x3;
	s21 =	sadd.s32 @!p1 s22, s21;
	s22 =	sshll.u32 @!p1 s23, $0x12  }
0x25: {  	s20 =	sadd.s32 @!p1 s20, s21;
	s21 =	sor.u32 @!p1 $0x400, s22;
	s22 =	simm.s32 @!p1 $0x4000  }
0x26: {  	[tilespmem:s19], [sflag:$0x1] =	stream.strided.gather @!p1 [hbm4b:s20+s21], $0x4000, s22, s21, $0x38;
	[tilespmem:$0x10000] =	vst v63  }
0x27: {  	p1 =	sge.u32 s31, s7  }
.Ltmp2:
0x28: {  	_ = 	snop;
	(pc) =	sbr.rel @p1 .LBB1_7-.Ltmp2, $1  }
0x29: {  	_ =	sdelay $0x3  }
0x2a: {  	s19 =	simm.s32 $0x1;
	_ =	swait.ge [sflag:s6], $0x4000  }
0x2b: {  	s20 =	sshll.u32 s14, $0xE;
	s22 =	simm.s32 $0x0;
	s19 =	simm.s32 @!p0 $0x0  }
0x2c: {  	p2 =	por $0x1, $0x1;
	[sflag:s6] =	ssyncset.done $0x0;
	s19 =	sshll.u32 s19, $0x10  }
0x2d: {  	s20 =	sand.u32 $0x4000, s20;
	[sflag:s6] =	ssyncadd.s32 $0xFFFFC000;
	s21 =	sshrl.u32 s19, $0x2  }
0x2e: {  	s19 =	sor.u32 $0x8000, s20;
	s20 =	sadd.s32 $0x70, s21;
	s21 =	sadd.s32 $0x8040, s21  }
.LBB1_3:
0x2f: {  	s22 =	sshll.u32 s22, $0x2  }
0x30: {  	s23 =	sshra.s32 s22, $0x2  }
0x31: {  	s22 =	sadd.s32 s23, s20  }
0x32: {  	v1 =	vmov s22;
	_ =	sdelay $0x3  }
0x33: {  	s22 =	simm.s32 $0x0  }
0x34: {  	s23 =	sadd.s32 s23, s21;
	v7 =	vld.idx.msk [tilespmem:v1+s22+$0x0 ss:$0x1], $0xffff  }
0x35: {  	v0 =	vmov s23;
	v8 =	vld.idx.msk [tilespmem:v1+s22+$0xFFFFFF90 ss:$0x1], $0xffff  }
0x36: {  	v6 =	vld.idx.msk [tilespmem:v1+s22+$0xFFFFFFA0 ss:$0x1], $0xffff  }
0x37: {  	v5 =	vld.idx.msk [tilespmem:v1+s22+$0xFFFFFFB0 ss:$0x1], $0xffff  }
0x38: {  	v4 =	vld.idx.msk [tilespmem:v1+s22+$0xFFFFFFC0 ss:$0x1], $0xffff  }
0x39: {  	v2 =	vld.idx.msk [tilespmem:v1+s22+$0xFFFFFFD0 ss:$0x1], $0xffff  }
0x3a: {  	v3 =	vld.idx.msk [tilespmem:v1+s22+$0xFFFFFFE0 ss:$0x1], $0xffff;
	[tilespmem:v0+s22+$0x30 ss:$0x1] =	vst.idx.msk $0xffff, v7  }
0x3b: {  	p1 =	por p2, p2;
	s24 =	simm.s32 $0x400;
	s23 =	simm.s32 $0x80;
	[tilespmem:v0+s22+$0xFFFFFFC0 ss:$0x1] =	vst.idx.msk $0xffff, v8;
	v7 =	vld.idx.msk [tilespmem:v1+s22+$0xFFFFFFF0 ss:$0x1], $0xffff  }
.LBB1_4:
0x3c: {  	p2 =	sne.s32 s24, $0x7E00;
	v8 =	vld.idx.msk [tilespmem:v1+s23+$0x0 ss:$0x1], $0xffff;
	[tilespmem:v0+s22+$0xFFFFFFD0 ss:$0x1] =	vst.idx.msk $0xffff, v6  }
0x3d: {  	v9 =	vld.idx.msk [tilespmem:v1+s23+$0xFFFFFF90 ss:$0x1], $0xffff;
	[tilespmem:v0+s22+$0xFFFFFFE0 ss:$0x1] =	vst.idx.msk $0xffff, v5  }
0x3e: {  	v6 =	vld.idx.msk [tilespmem:v1+s23+$0xFFFFFFA0 ss:$0x1], $0xffff;
	[tilespmem:v0+s22+$0xFFFFFFF0 ss:$0x1] =	vst.idx.msk $0xffff, v4  }
.Ltmp3:
0x3f: {  	v5 =	vld.idx.msk [tilespmem:v1+s23+$0xFFFFFFB0 ss:$0x1], $0xffff;
	[tilespmem:v0+s22+$0x0 ss:$0x1] =	vst.idx.msk $0xffff, v2;
	(pc) =	sbr.rel @p2 .LBB1_4-.Ltmp3, $4  }
0x40: {  	v4 =	vld.idx.msk [tilespmem:v1+s23+$0xFFFFFFC0 ss:$0x1], $0xffff;
	[tilespmem:v0+s22+$0x10 ss:$0x1] =	vst.idx.msk $0xffff, v3  }
0x41: {  	v2 =	vld.idx.msk [tilespmem:v1+s23+$0xFFFFFFD0 ss:$0x1], $0xffff;
	[tilespmem:v0+s22+$0x20 ss:$0x1] =	vst.idx.msk $0xffff, v7;
	s22 =	smov.u32 s23  }
0x42: {  	v3 =	vld.idx.msk [tilespmem:v1+s22+$0xFFFFFFE0 ss:$0x1], $0xffff;
	[tilespmem:v0+s22+$0x30 ss:$0x1] =	vst.idx.msk $0xffff, v8  }
0x43: {  	s23 =	sshra.s32 s24, $0x2;
	s24 =	sadd.s32 $0x200, s24;
	[tilespmem:v0+s22+$0xFFFFFFC0 ss:$0x1] =	vst.idx.msk $0xffff, v9;
	v7 =	vld.idx.msk [tilespmem:v1+s22+$0xFFFFFFF0 ss:$0x1], $0xffff  }
0x44: {  	_ =	sdelay $0x3  }
0x45: {  	[tilespmem:v0+s22+$0xFFFFFFD0 ss:$0x1] =	vst.idx.msk $0xffff, v6  }
0x46: {  	v56 =	vld.idx.msk [tilespmem:v1+s23+$0x0 ss:$0x1], $0xffff;
	[tilespmem:v0+s22+$0xFFFFFFE0 ss:$0x1] =	vst.idx.msk $0xffff, v5  }
0x47: {  	v57 =	vld.idx.msk [tilespmem:v1+s23+$0xFFFFFF90 ss:$0x1], $0xffff;
	[tilespmem:v0+s22+$0xFFFFFFF0 ss:$0x1] =	vst.idx.msk $0xffff, v4  }
0x48: {  	v58 =	vld.idx.msk [tilespmem:v1+s23+$0xFFFFFFA0 ss:$0x1], $0xffff;
	[tilespmem:v0+s22+$0x0 ss:$0x1] =	vst.idx.msk $0xffff, v2  }
0x49: {  	v59 =	vld.idx.msk [tilespmem:v1+s23+$0xFFFFFFB0 ss:$0x1], $0xffff;
	[tilespmem:v0+s22+$0x10 ss:$0x1] =	vst.idx.msk $0xffff, v3  }
0x4a: {  	v60 =	vld.idx.msk [tilespmem:v1+s23+$0xFFFFFFC0 ss:$0x1], $0xffff;
	[tilespmem:v0+s22+$0x20 ss:$0x1] =	vst.idx.msk $0xffff, v7  }
0x4b: {  	v61 =	vld.idx.msk [tilespmem:v1+s23+$0xFFFFFFD0 ss:$0x1], $0xffff;
	[tilespmem:v0+s23+$0x30 ss:$0x1] =	vst.idx.msk $0xffff, v56  }
0x4c: {  	v62 =	vld.idx.msk [tilespmem:v1+s23+$0xFFFFFFE0 ss:$0x1], $0xffff;
	[tilespmem:v0+s23+$0xFFFFFFC0 ss:$0x1] =	vst.idx.msk $0xffff, v57  }
0x4d: {  	v63 =	vld.idx.msk [tilespmem:v1+s23+$0xFFFFFFF0 ss:$0x1], $0xffff;
	[tilespmem:v0+s23+$0xFFFFFFD0 ss:$0x1] =	vst.idx.msk $0xffff, v58  }
.Ltmp4:
0x4e: {  	[tilespmem:v0+s23+$0xFFFFFFE0 ss:$0x1] =	vst.idx.msk $0xffff, v59;
	(pc) =	sbr.rel @p1 .LBB1_3-.Ltmp4, $4  }
0x4f: {  	[tilespmem:v0+s23+$0xFFFFFFF0 ss:$0x1] =	vst.idx.msk $0xffff, v60  }
0x50: {  	[tilespmem:v0+s23+$0x0 ss:$0x1] =	vst.idx.msk $0xffff, v61  }
0x51: {  	[tilespmem:v0+s23+$0x10 ss:$0x1] =	vst.idx.msk $0xffff, v62  }
0x52: {  	p2 =	por $0x0, $0x0;
	s22 =	simm.s32 $0x2000;
	[tilespmem:v0+s23+$0x20 ss:$0x1] =	vst.idx.msk $0xffff, v63  }
0x53: {  	s18 =	sshll.u32 s18, $0x7;
	s20 =	sand.u32 $0x78, s15;
	s21 =	sshll.u32 s15, $0x2  }
0x54: {  	s17 =	sshll.u32 s17, $0x10;
	s16 =	sshll.u32 s16, $0xA;
	s29 =	sshrl.u32 s15, $0x1  }
0x55: {  	s30 =	sand.u32 $0x7, s15;
	s18 =	sand.u32 $0x180, s18;
	s21 =	sand.u32 $0x600, s21  }
.Ltmp5:
0x56: {  	s17 =	sadd.s32 s4, s17;
	s18 =	sor.u32 s18, s20;
	(pc) =	sbr.rel .LBB1_7-.Ltmp5, $4  }
0x57: {  	s20 =	sand.u32 $0x300, s29;
	s16 =	sadd.s32 s16, s17;
	s18 =	sor.u32 s21, s18  }
0x58: {  	s15 =	sshll.u32 s30, $0x12;
	s16 =	sadd.s32 s20, s16;
	s31 =	sshrl.u32 s18, $0x3  }
0x59: {  	s15 =	sor.u32 $0x80, s15;
	s16 =	sadd.s32 s31, s16  }
0x5a: {  	[hbm4b:s16+s15] =	stream.strided.scatter [tilespmem:s19], [sflag:$0x2], $0x4000, s9, s15, $0x38;
	[tilespmem:$0x10000] =	vst v63  }
.LBB1_8:
0x5b: {  	_ =	sfence.sel $0x180000  }
0x5c: {  	s2 =	simm.s32 $0x1;
	[bflag:$0x0] =	sbarrier.arrive $0xFFFF  }
0x5d: {  	s31 =	simm.s32 $0x2;
	[sflag:s2] =	ssyncpa.u1 $0x1  }
0x5e: {  	[sflag:s31] =	ssyncpa.u1 $0x1  }
0x5f: {  	p0 =	sne.s32 s0, $0x0;
	_ =	strace $0x9000004D  }
0x60: {  	s0 =	sadd.s32 @!p0 $0x100000, s1;
	[bflag:$0x2] =	sbarrier.arrive $0xFFFF  }
0x61: {  	[sflag:s0] =	ssyncadd.tile.s32 @!p0 $0x1;
	_ =	shalt  }
.Lfunc_end1:
_tile_overlayer_lowered:
.L_overlay_start_2:
0x62: {  	(tag) =	ssettag $0x2  }
0x63: {  	s0 =	rddreg [dreg:$0x0];
	s2 =	stileid.u32  }
0x64: {  	s1 =	rddreg [dreg:$0x1];
	p0 =	sne.s32 s2, $0x0  }
0x65: {  	s3 =	rddreg [dreg:$0x2];
	[bflag:$0x3] =	sbarrier.arrive $0xFFFF;
	s2 =	simm.s32 @!p0 $0x1C01  }
0x66: {  	[timem:s3], [sflag:s2] =	dma.local @!p0 [hbm:s0], s1  }
0x67: {  	s0 =	simm.s32 @!p0 $0x1  }
0x68: {  	_ =	swait.ge @!p0 [sflag:s0], s1  }
0x69: {  	s1 =	ssub.s32 @!p0 $0x0, s1;
	[sflag:s0] =	ssyncset.done @!p0 $0x0  }
0x6a: {  	[sflag:s0] =	ssyncadd.s32 @!p0 s1  }
0x6b: {  	[bflag:$0x3] =	sbarrier.arrive $0xFFFF  }
0x6c: {  	_ =	shalt  }

// kernel: sparse-core-data-format-call.2.cloned.1.call-start
scs
called_computation.2_lowered:
.L_overlay_start_0:
0x0: {  	s1 =	sld [smem:$0x3FD9]  }
0x1: {  	s2 =	sld [smem:$0x3FFE];
	_ =	sdelay $0x1  }
0x2: {  	s3 =	srdreg.scid  }
0x3: {  	s0 =	sand.u32 $0x1, s3  }
0x4: {  	s17 =	sshll.u32 s0, $0xA;
	s1 =	sadd.s32 s2, s1  }
0x5: {  	s1 =	sadd.s32 s1, s17  }
0x6: {  	[smem:$0x3FC0] =	sst s1  }
0x7: {  	_ = 	snop  }
0x8: {  	(tm) =	ssettm $0x1  }
0x9: {  	s18 =	sld [smem:$0x3FFB];
	_ =	sdelay $0x3  }
0xa: {  	_ =	strace s18  }
0xb: {  	s1 =	sld [smem:$0x3FFC];
	_ =	sdelay $0x3  }
0xc: {  	_ =	strace s1  }
0xd: {  	s1 =	sld [smem:$0x3FFD];
	_ =	sdelay $0x3  }
0xe: {  	_ =	strace s1  }
0xf: {  	_ =	strace $0x8FFFFFFF  }
0x10: {  	s19 =	sld [smem:$0x3FDB];
	_ =	sdelay $0x1  }
0x11: {  	s20 =	simm.s32 $_scs_section_size  }
0x12: {  	s4 =	simm.s32 $_size__tile_overlayer_lowered;
	s5 =	simm.s32 $_tile_overlayer_lowered  }
0x13: {  	s23 =	simm.s32 $0x1BFF;
	s22 =	sshll.u32 s5, $0x1;
	s1 =	sadd.s32 s20, s19  }
0x14: {  	s6 =	simm.s32 $0x0;
	s21 =	sshll.u32 s4, $0x1;
	s4 =	sadd.s32 s22, s1  }
0x15: {  	[timem:s6], [sflag:s23] =	dma.local [hbm:s4], s21  }
0x16: {  	_ =	swait.ge [sflag:s23], s21  }
0x17: {  	s2 =	ssub.s32 $0x0, s21;
	[sflag:s23] =	ssyncset.done $0x0  }
0x18: {  	[sflag:s23] =	ssyncadd.s32 s2;
	_ =	sdelay $0x1  }
0x19: {  	s24 =	simm.s32 $0x1B8B  }
0x1a: {  	_ =	swait.ge [sflag:s24], $0x1  }
0x1b: {  	[sflag:s24] =	ssyncset.done $0x0  }
0x1c: {  	s26 =	simm.s32 $0x1B8E;
	s25 =	sld [smem:$0x3FFE];
	[sflag:s24] =	ssyncadd.s32 $0xFFFFFFFF  }
0x1d: {  	s27 =	simm.s32 $execute0_lowered;
	[smem:$0x3FD2] =	sst s26  }
0x1e: {  	s4 =	sshll.u32 s27, $0x1;
	_ =	strace $0x80000046;
	[dreg:$0x1] =	wrdreg $0xFFFFFFFF  }
0x1f: {  	s28 =	simm.s32 $_size_execute0_lowered;
	s1 =	sadd.s32 s1, s4;
	[dreg:$0x0] =	wrdreg $0x0  }
0x20: {  	s4 =	sshll.u32 s28, $0x1;
	[dreg:$0x2] =	wrdreg s1  }
0x21: {  	[dreg:$0x3] =	wrdreg s4  }
0x22: {  	[dreg:$0x4] =	wrdreg $0xC0  }
0x23: {  	_ =	task [dreg:s6], $0x5FFFF  }
0x24: {  	[dreg:$0x1] =	wrdreg $0xFFFFFFFF  }
0x25: {  	[dreg:$0x0] =	wrdreg $0x60  }
0x26: {  	[dreg:$0x2] =	wrdreg s25  }
0x27: {  	[dreg:$0x3] =	wrdreg $0x9  }
0x28: {  	_ =	task.clear_ibuf [dreg:s6], $0x4FFFF;
	_ =	strace $0x90000046  }
0x29: {  	s29 =	simm.s32 $0x9;
	_ =	strace $0x80000048  }
0x2a: {  	_ =	swait.ge [sflag:s29], $0x1  }
0x2b: {  	[sflag:s29] =	ssyncadd.s32 $0xFFFFFFFF  }
0x2c: {  	_ =	strace $0x90000048  }
0x2d: {  	_ =	sfence  }
0x2e: {  	s30 =	sld [smem:$0x0];
	_ =	sdelay $0x2  }
0x2f: {  	s31 =	sshll.u32 s3, $0xD;
	s3 =	sshrl.u32 s3, $0x2  }
0x30: {  	s2 =	sand.u32 $0x4000, s31;
	s1 =	sadd.s32 s3, s30  }
0x31: {  	s0 =	sor.u32 s2, s0;
	s1 =	sshll.u32 s1, $0x11  }
0x32: {  	s0 =	sor.u32 s1, s0  }
0x33: {  	s0 =	sadd.s32 $0x8F2B, s0  }
0x34: {  	[sflag:s0] =	ssyncadd.remote.s32 $0x1  }
0x35: {  	_ =	sfence.sel $0xFFFF  }
0x36: {  	[dreg:$0x0] =	wrdreg $0xFFFFFFFF;
	(pc) =	sbr.abs _section_cstart, $3  }
0x37: {  	[dreg:$0x1] =	wrdreg $0xFFFFFFFF  }
0x38: {  	_ =	task.clear_ibuf [dreg:s6], $0x2FFFF;
	_ =	strace $0x9FFFFFFF  }
0x39: {  	(tm) =	ssettm $0x7FFFFFFF  }
tec
execute0_lowered:
.L_overlay_start_1:
0x0: {  	(tag) =	ssettag $0x1  }
0x1: {  	s0 =	srdreg.scid;
	s2 =	rddreg [dreg:$0x0]  }
0x2: {  	s31 =	simm.s32 $0x2;
	s15 =	simm.s32 $0x0;
	s8 =	simm.s32 $0x200000  }
0x3: {  	s9 =	simm.s32 $0x0;
	s16 =	simm.s32 $0x0;
	s18 =	simm.s32 $0x0  }
0x4: {  	s17 =	simm.s32 $0x0;
	s10 =	simm.s32 $0x0;
	s0 =	sshll.u32 s0, $0x3  }
0x5: {  	s11 =	simm.s32 $0x0;
	s13 =	stileid.u32;
	s1 =	sand.u32 $0x8, s0  }
0x6: {  	s14 =	simm.s32 $0x0;
	s3 =	sadd.s32 $0x105A00, s2;
	s5 =	ssub.s32 $0x40, s1  }
.Ltmp0:
0x7: {  	s4 =	sadd.s32 $0x5A00, s2;
	s6 =	sshrl.u32 s5, $0x3;
	(pc) =	sbr.rel .LBB1_1-.Ltmp0, $4  }
0x8: {  	s0 =	rddreg [dreg:$0x1];
	s7 =	sshrl.u32 s5, $0x4;
	s6 =	sand.u32 $0x1, s6  }
0x9: {  	_ =	strace $0x80000047;
	s5 =	simm.s32 $0x1;
	s6 =	sadd.s32 s7, s6  }
0xa: {  	s2 =	stileid.u32;
	[sflag:s5] =	ssyncpa.u1 $0x0;
	s6 =	sshll.u32 s6, $0x2  }
0xb: {  	s12 =	smov.u32 s1;
	[sflag:s31] =	ssyncpa.u1 $0x0;
	s7 =	sor.u32 $0x1, s6  }
.LBB1_7:
0xc: {  	s19 =	sadd.s32 $0x200, s10  }
0xd: {  	s15 =	sadd.s32 $0x4, s11;
	s20 =	smov.u32 s11;
	p1 =	sgt.s32 s19, $0x7FF  }
0xe: {  	s20 =	smov.u32 @p1 s15  }
0xf: {  	s21 =	smov.u32 s12;
	s15 =	sadd.s32 $0x10, s12;
	p2 =	sgt.s32 s20, $0x3  }
0x10: {  	s21 =	smov.u32 @p2 s15  }
0x11: {  	s22 =	smov.u32 s13;
	s15 =	sadd.s32 $0x10, s13;
	p3 =	sgt.s32 s21, $0x3F  }
0x12: {  	p0 =	slt.u32 s14, $0x2;
	s22 =	smov.u32 @p3 s15  }
0x13: {  	s16 =	smov.u32 s11;
	s19 =	simm.s32 @p1 $0x0;
	p1 =	sgt.s32 s22, $0xF  }
0x14: {  	s23 =	simm.s32 @!p0 $0x2;
	s22 =	smov.u32 @p1 s2;
	p1 =	sne.s32 s14, s7  }
.Ltmp1:
0x15: {  	s18 =	smov.u32 s12;
	_ =	swait.ge @!p0 [sflag:s23], $0x4000;
	(pc) =	sbr.rel @!p1 .LBB1_8-.Ltmp1, $4  }
0x16: {  	s17 =	smov.u32 s13;
	[sflag:s23] =	ssyncset.done @!p0 $0x0;
	s20 =	simm.s32 @p2 $0x0  }
0x17: {  	s9 =	sadd.s32 $0x4000, s9;
	[sflag:s23] =	ssyncadd.s32 @!p0 $0xFFFFC000;
	s11 =	smov.u32 s20  }
0x18: {  	s21 =	smov.u32 @p3 s1;
	s15 =	smov.u32 s10;
	s10 =	smov.u32 s19  }
0x19: {  	s12 =	smov.u32 s21;
	s14 =	sadd.s32 $0x1, s14;
	s13 =	smov.u32 s22  }
.LBB1_1:
0x1a: {  	p0 =	sge.u32 s14, s6  }
0x1b: {  	s31 =	sadd.s32 $0xFFFFFFFF, s14;
	s19 =	sxor.u32 @!p0 $0xFFFFFFFF, s14;
	s20 =	sshll.u32 @!p0 s11, $0x7  }
0x1c: {  	s21 =	sand.u32 @!p0 $0x78, s10;
	s22 =	sshll.u32 @!p0 s10, $0x2;
	s23 =	sshrl.u32 @!p0 s10, $0x1  }
0x1d: {  	s20 =	sand.u32 @!p0 $0x180, s20;
	s19 =	sshll.u32 @!p0 s19, $0xE;
	s22 =	sand.u32 @!p0 $0x600, s22  }
0x1e: {  	s23 =	sand.u32 @!p0 $0x300, s23;
	s20 =	sor.u32 @!p0 s20, s21;
	s21 =	sshll.u32 @!p0 s13, $0x10  }
0x1f: {  	s20 =	sor.u32 @!p0 s22, s20;
	s22 =	sshll.u32 @!p0 s12, $0xA;
	s21 =	sadd.s32 @!p0 s3, s21  }
0x20: {  	s19 =	sand.u32 @!p0 $0x4000, s19;
	s21 =	sadd.s32 @!p0 s22, s21;
	s22 =	sand.u32 @!p0 $0x7, s10  }
0x21: {  	s20 =	sshrl.u32 @!p0 s20, $0x3;
	s21 =	sadd.s32 @!p0 s23, s21;
	s22 =	sshll.u32 @!p0 s22, $0x12  }
0x22: {  	s20 =	sadd.s32 @!p0 s20, s21;
	s21 =	sor.u32 @!p0 $0x800, s22;
	s22 =	simm.s32 @!p0 $0x2000  }
0x23: {  	[tilespmem:s19], [sflag:$0x1] =	stream.strided.gather @!p0 [hbm4b:s20+s21], $0x4000, s22, s21, $0x38;
	[tilespmem:$0x10000] =	vst v63  }
0x24: {  	p0 =	sge.u32 s31, s6  }
.Ltmp2:
0x25: {  	_ = 	snop;
	(pc) =	sbr.rel @p0 .LBB1_7-.Ltmp2, $1  }
0x26: {  	_ =	sdelay $0x3  }
0x27: {  	s19 =	sshll.u32 s9, $0x2;
	_ =	swait.ge [sflag:s5], $0x4000;
	s31 =	sshll.u32 s14, $0xE  }
0x28: {  	s23 =	simm.s32 $0x0;
	s24 =	simm.s32 $0x0;
	s19 =	sand.u32 $0x10000, s19  }
0x29: {  	s25 =	simm.s32 $0x0;
	[sflag:s5] =	ssyncset.done $0x0;
	s22 =	sshrl.u32 s19, $0x2  }
0x2a: {  	s19 =	sand.u32 $0x4000, s31;
	[sflag:s5] =	ssyncadd.s32 $0xFFFFC000;
	s20 =	sor.u32 $0x400, s22  }
0x2b: {  	s21 =	sor.u32 $0x8000, s22;
	s19 =	sor.u32 $0x8000, s19;
	s22 =	sadd.s32 $0x8C00, s22  }
.LBB1_3:
0x2c: {  	v0 =	vmov s21;
	v1 =	vld [tilespmem:s20+$0x270]  }
0x2d: {  	v2 =	vld [tilespmem:s20+$0xFFFFFC10]  }
0x2e: {  	v3 =	vld [tilespmem:s20+$0xFFFFFC20]  }
0x2f: {  	s26 =	sshll.u32 s24, $0x2;
	s27 =	sand.u32 $0x3, s23;
	v4 =	vld [tilespmem:s20+$0xFFFFFC30]  }
0x30: {  	v5 =	vld [tilespmem:s20+$0xFFFFFC40];
	s28 =	sand.u32 $0xFFFFF800, s26;
	s27 =	sshll.u32 s27, $0x9;
	s26 =	simm.s32 $0x0  }
0x31: {  	v6 =	vld [tilespmem:s20+$0xFFFFFC50];
	s27 =	sor.u32 s27, s28;
	[tilespmem:v0+s26+$0xC70 ss:$0x1] =	vst.idx.msk $0xffff, v1  }
0x32: {  	v7 =	vld [tilespmem:s20+$0x220];
	s27 =	sshrl.u32 s27, $0x2;
	[tilespmem:v0+s26+$0x10 ss:$0x1] =	vst.idx.msk $0xffff, v2  }
0x33: {  	v8 =	vld [tilespmem:s20+$0x230];
	s27 =	sadd.s32 s27, s22;
	[tilespmem:v0+s26+$0x20 ss:$0x1] =	vst.idx.msk $0xffff, v3  }
0x34: {  	v1 =	vmov s27;
	[tilespmem:v0+s26+$0x30 ss:$0x1] =	vst.idx.msk $0xffff, v4;
	v4 =	vld [tilespmem:s20+$0xFFFFFE00]  }
0x35: {  	[tilespmem:v0+s26+$0x40 ss:$0x1] =	vst.idx.msk $0xffff, v5;
	v5 =	vld [tilespmem:s20+$0xFFFFFE10]  }
0x36: {  	[tilespmem:v0+s26+$0x50 ss:$0x1] =	vst.idx.msk $0xffff, v6;
	v6 =	vld [tilespmem:s20+$0xFFFFFE20]  }
0x37: {  	v2 =	vld [tilespmem:s20+$0xFFFFFC60];
	[tilespmem:v0+s26+$0xC20 ss:$0x1] =	vst.idx.msk $0xffff, v7  }
0x38: {  	v3 =	vld [tilespmem:s20+$0xFFFFFC70];
	[tilespmem:v0+s26+$0xC30 ss:$0x1] =	vst.idx.msk $0xffff, v8  }
0x39: {  	[tilespmem:v1+s26+$0xFFFFF800 ss:$0x1] =	vst.idx.msk $0xffff, v4;
	v4 =	vld [tilespmem:s20+$0xFFFFFE50]  }
0x3a: {  	[tilespmem:v0+s26+$0x410 ss:$0x1] =	vst.idx.msk $0xffff, v5;
	v5 =	vld [tilespmem:s20+$0xFFFFFE60]  }
0x3b: {  	[tilespmem:v0+s26+$0x420 ss:$0x1] =	vst.idx.msk $0xffff, v6;
	v6 =	vld [tilespmem:s20+$0xFFFFFE70]  }
0x3c: {  	[tilespmem:v0+s26+$0x60 ss:$0x1] =	vst.idx.msk $0xffff, v2;
	v2 =	vld [tilespmem:s20+$0xFFFFFE30]  }
0x3d: {  	[tilespmem:v0+s26+$0x70 ss:$0x1] =	vst.idx.msk $0xffff, v3;
	v3 =	vld [tilespmem:s20+$0xFFFFFE40]  }
0x3e: {  	[tilespmem:v0+s26+$0x450 ss:$0x1] =	vst.idx.msk $0xffff, v4;
	v4 =	vld [tilespmem:s20+$0x20]  }
0x3f: {  	[tilespmem:v0+s26+$0x460 ss:$0x1] =	vst.idx.msk $0xffff, v5;
	v5 =	vld [tilespmem:s20+$0x30]  }
0x40: {  	[tilespmem:v0+s26+$0x470 ss:$0x1] =	vst.idx.msk $0xffff, v6;
	v6 =	vld [tilespmem:s20+$0x40]  }
0x41: {  	[tilespmem:v0+s26+$0x430 ss:$0x1] =	vst.idx.msk $0xffff, v2;
	v2 =	vld [tilespmem:s20+$0x0]  }
0x42: {  	[tilespmem:v0+s26+$0x440 ss:$0x1] =	vst.idx.msk $0xffff, v3;
	v3 =	vld [tilespmem:s20+$0x10]  }
0x43: {  	[tilespmem:v0+s26+$0x820 ss:$0x1] =	vst.idx.msk $0xffff, v4;
	v4 =	vld [tilespmem:s20+$0x70]  }
0x44: {  	[tilespmem:v0+s26+$0x830 ss:$0x1] =	vst.idx.msk $0xffff, v5;
	v5 =	vld [tilespmem:s20+$0x200]  }
0x45: {  	[tilespmem:v0+s26+$0x840 ss:$0x1] =	vst.idx.msk $0xffff, v6;
	v6 =	vld [tilespmem:s20+$0x210]  }
0x46: {  	[tilespmem:v1+s26+$0xFFFFFC00 ss:$0x1] =	vst.idx.msk $0xffff, v2;
	v2 =	vld [tilespmem:s20+$0x50]  }
0x47: {  	[tilespmem:v0+s26+$0x810 ss:$0x1] =	vst.idx.msk $0xffff, v3;
	v3 =	vld [tilespmem:s20+$0x60]  }
0x48: {  	[tilespmem:v0+s26+$0x870 ss:$0x1] =	vst.idx.msk $0xffff, v4;
	v4 =	vld [tilespmem:s20+$0x240]  }
0x49: {  	[tilespmem:v1+s26+$0x0 ss:$0x1] =	vst.idx.msk $0xffff, v5;
	v5 =	vld [tilespmem:s20+$0x250]  }
0x4a: {  	[tilespmem:v0+s26+$0xC10 ss:$0x1] =	vst.idx.msk $0xffff, v6;
	v6 =	vld [tilespmem:s20+$0x260]  }
0x4b: {  	s27 =	sadd.s32 $0x80, s20;
	[tilespmem:v0+s26+$0x850 ss:$0x1] =	vst.idx.msk $0xffff, v2;
	v2 =	vld [tilespmem:s20+$0xFFFFFC00]  }
0x4c: {  	s29 =	simm.s32 $0x8000;
	s28 =	simm.s32 $0x4000;
	[tilespmem:v0+s26+$0x860 ss:$0x1] =	vst.idx.msk $0xffff, v3;
	v3 =	vld [tilespmem:s27+$0x270]  }
.LBB1_4:
0x4d: {  	p0 =	sne.s32 s29, $0xC000;
	v7 =	vld [tilespmem:s27+$0xFFFFFC10];
	[tilespmem:v0+s26+$0xC40 ss:$0x1] =	vst.idx.msk $0xffff, v4  }
0x4e: {  	v4 =	vld [tilespmem:s27+$0xFFFFFC20];
	[tilespmem:v0+s26+$0xC50 ss:$0x1] =	vst.idx.msk $0xffff, v5  }
0x4f: {  	v5 =	vld [tilespmem:s27+$0xFFFFFC30];
	[tilespmem:v0+s26+$0xC60 ss:$0x1] =	vst.idx.msk $0xffff, v6  }
0x50: {  	v6 =	vld [tilespmem:s27+$0xFFFFFC40];
	[tilespmem:v0+s26+$0x0 ss:$0x1] =	vst.idx.msk $0xffff, v2;
	s26 =	sshra.s32 s28, $0x2;
	s28 =	smov.u32 s29  }
0x51: {  	v2 =	vld [tilespmem:s27+$0xFFFFFC50];
	[tilespmem:v0+s26+$0xC70 ss:$0x1] =	vst.idx.msk $0xffff, v3  }
0x52: {  	[tilespmem:v0+s26+$0x10 ss:$0x1] =	vst.idx.msk $0xffff, v7;
	v3 =	vld [tilespmem:s27+$0xFFFFFC60]  }
0x53: {  	[tilespmem:v0+s26+$0x20 ss:$0x1] =	vst.idx.msk $0xffff, v4;
	v4 =	vld [tilespmem:s27+$0xFFFFFC70]  }
0x54: {  	[tilespmem:v0+s26+$0x30 ss:$0x1] =	vst.idx.msk $0xffff, v5;
	v5 =	vld [tilespmem:s27+$0xFFFFFE00]  }
0x55: {  	[tilespmem:v0+s26+$0x40 ss:$0x1] =	vst.idx.msk $0xffff, v6;
	v6 =	vld [tilespmem:s27+$0xFFFFFE10]  }
0x56: {  	[tilespmem:v0+s26+$0x50 ss:$0x1] =	vst.idx.msk $0xffff, v2;
	v2 =	vld [tilespmem:s27+$0xFFFFFE20]  }
0x57: {  	[tilespmem:v0+s26+$0x60 ss:$0x1] =	vst.idx.msk $0xffff, v3;
	v3 =	vld [tilespmem:s27+$0xFFFFFE30]  }
0x58: {  	[tilespmem:v0+s26+$0x70 ss:$0x1] =	vst.idx.msk $0xffff, v4;
	v4 =	vld [tilespmem:s27+$0xFFFFFE40]  }
0x59: {  	[tilespmem:v1+s26+$0xFFFFF800 ss:$0x1] =	vst.idx.msk $0xffff, v5;
	v5 =	vld [tilespmem:s27+$0xFFFFFE50]  }
0x5a: {  	[tilespmem:v0+s26+$0x410 ss:$0x1] =	vst.idx.msk $0xffff, v6;
	v6 =	vld [tilespmem:s27+$0xFFFFFE60]  }
0x5b: {  	[tilespmem:v0+s26+$0x420 ss:$0x1] =	vst.idx.msk $0xffff, v2;
	v2 =	vld [tilespmem:s27+$0xFFFFFE70]  }
0x5c: {  	[tilespmem:v0+s26+$0x430 ss:$0x1] =	vst.idx.msk $0xffff, v3;
	v3 =	vld [tilespmem:s27+$0x0]  }
0x5d: {  	[tilespmem:v0+s26+$0x440 ss:$0x1] =	vst.idx.msk $0xffff, v4;
	v4 =	vld [tilespmem:s27+$0x10]  }
0x5e: {  	[tilespmem:v0+s26+$0x450 ss:$0x1] =	vst.idx.msk $0xffff, v5;
	v5 =	vld [tilespmem:s27+$0x20]  }
0x5f: {  	[tilespmem:v0+s26+$0x460 ss:$0x1] =	vst.idx.msk $0xffff, v6;
	v6 =	vld [tilespmem:s27+$0x30]  }
0x60: {  	[tilespmem:v0+s26+$0x470 ss:$0x1] =	vst.idx.msk $0xffff, v2;
	v2 =	vld [tilespmem:s27+$0x40]  }
0x61: {  	[tilespmem:v1+s26+$0xFFFFFC00 ss:$0x1] =	vst.idx.msk $0xffff, v3;
	v3 =	vld [tilespmem:s27+$0x50]  }
0x62: {  	[tilespmem:v0+s26+$0x810 ss:$0x1] =	vst.idx.msk $0xffff, v4;
	v4 =	vld [tilespmem:s27+$0x60]  }
0x63: {  	[tilespmem:v0+s26+$0x820 ss:$0x1] =	vst.idx.msk $0xffff, v5;
	v5 =	vld [tilespmem:s27+$0x70]  }
0x64: {  	[tilespmem:v0+s26+$0x830 ss:$0x1] =	vst.idx.msk $0xffff, v6;
	v6 =	vld [tilespmem:s27+$0x200]  }
0x65: {  	[tilespmem:v0+s26+$0x840 ss:$0x1] =	vst.idx.msk $0xffff, v2;
	v2 =	vld [tilespmem:s27+$0x210]  }
0x66: {  	[tilespmem:v0+s26+$0x850 ss:$0x1] =	vst.idx.msk $0xffff, v3;
	v3 =	vld [tilespmem:s27+$0x220]  }
0x67: {  	[tilespmem:v0+s26+$0x860 ss:$0x1] =	vst.idx.msk $0xffff, v4;
	v7 =	vld [tilespmem:s27+$0x230]  }
.Ltmp3:
0x68: {  	[tilespmem:v0+s26+$0x870 ss:$0x1] =	vst.idx.msk $0xffff, v5;
	v4 =	vld [tilespmem:s27+$0x240];
	(pc) =	sbr.rel @p0 .LBB1_4-.Ltmp3, $4  }
0x69: {  	[tilespmem:v1+s26+$0x0 ss:$0x1] =	vst.idx.msk $0xffff, v6;
	v5 =	vld [tilespmem:s27+$0x250]  }
0x6a: {  	[tilespmem:v0+s26+$0xC10 ss:$0x1] =	vst.idx.msk $0xffff, v2;
	v6 =	vld [tilespmem:s27+$0x260]  }
0x6b: {  	v2 =	vld [tilespmem:s27+$0xFFFFFC00];
	[tilespmem:v0+s26+$0xC20 ss:$0x1] =	vst.idx.msk $0xffff, v3;
	s27 =	sadd.s32 $0x80, s27  }
0x6c: {  	s29 =	sadd.s32 $0x4000, s29;
	v3 =	vld [tilespmem:s27+$0x270];
	[tilespmem:v0+s26+$0xC30 ss:$0x1] =	vst.idx.msk $0xffff, v7  }
0x6d: {  	_ =	sdelay $0x3  }
0x6e: {  	v7 =	vld [tilespmem:s27+$0xFFFFFC10];
	[tilespmem:v0+s26+$0xC40 ss:$0x1] =	vst.idx.msk $0xffff, v4  }
0x6f: {  	v34 =	vld [tilespmem:s27+$0xFFFFFC20];
	[tilespmem:v0+s26+$0xC50 ss:$0x1] =	vst.idx.msk $0xffff, v5  }
0x70: {  	v35 =	vld [tilespmem:s27+$0xFFFFFC30];
	[tilespmem:v0+s26+$0xC60 ss:$0x1] =	vst.idx.msk $0xffff, v6  }
0x71: {  	s28 =	sshra.s32 s28, $0x2;
	v36 =	vld [tilespmem:s27+$0xFFFFFC40];
	[tilespmem:v0+s26+$0x0 ss:$0x1] =	vst.idx.msk $0xffff, v2  }
0x72: {  	v37 =	vld [tilespmem:s27+$0xFFFFFC50];
	[tilespmem:v0+s28+$0xC70 ss:$0x1] =	vst.idx.msk $0xffff, v3  }
0x73: {  	v38 =	vld [tilespmem:s27+$0xFFFFFC60];
	[tilespmem:v0+s28+$0x10 ss:$0x1] =	vst.idx.msk $0xffff, v7  }
0x74: {  	v39 =	vld [tilespmem:s27+$0xFFFFFC70];
	[tilespmem:v0+s28+$0x20 ss:$0x1] =	vst.idx.msk $0xffff, v34  }
0x75: {  	v40 =	vld [tilespmem:s27+$0xFFFFFE00];
	[tilespmem:v0+s28+$0x30 ss:$0x1] =	vst.idx.msk $0xffff, v35  }
0x76: {  	v41 =	vld [tilespmem:s27+$0xFFFFFE10];
	[tilespmem:v0+s28+$0x40 ss:$0x1] =	vst.idx.msk $0xffff, v36  }
0x77: {  	v42 =	vld [tilespmem:s27+$0xFFFFFE20];
	[tilespmem:v0+s28+$0x50 ss:$0x1] =	vst.idx.msk $0xffff, v37  }
0x78: {  	v43 =	vld [tilespmem:s27+$0xFFFFFE30];
	[tilespmem:v0+s28+$0x60 ss:$0x1] =	vst.idx.msk $0xffff, v38  }
0x79: {  	v44 =	vld [tilespmem:s27+$0xFFFFFE40];
	[tilespmem:v0+s28+$0x70 ss:$0x1] =	vst.idx.msk $0xffff, v39  }
0x7a: {  	v45 =	vld [tilespmem:s27+$0xFFFFFE50];
	[tilespmem:v1+s28+$0xFFFFF800 ss:$0x1] =	vst.idx.msk $0xffff, v40  }
0x7b: {  	v46 =	vld [tilespmem:s27+$0xFFFFFE60];
	[tilespmem:v0+s28+$0x410 ss:$0x1] =	vst.idx.msk $0xffff, v41  }
0x7c: {  	v47 =	vld [tilespmem:s27+$0xFFFFFE70];
	[tilespmem:v0+s28+$0x420 ss:$0x1] =	vst.idx.msk $0xffff, v42  }
0x7d: {  	v48 =	vld [tilespmem:s27+$0x0];
	[tilespmem:v0+s28+$0x430 ss:$0x1] =	vst.idx.msk $0xffff, v43  }
0x7e: {  	v49 =	vld [tilespmem:s27+$0x10];
	[tilespmem:v0+s28+$0x440 ss:$0x1] =	vst.idx.msk $0xffff, v44  }
0x7f: {  	v50 =	vld [tilespmem:s27+$0x20];
	[tilespmem:v0+s28+$0x450 ss:$0x1] =	vst.idx.msk $0xffff, v45  }
0x80: {  	v51 =	vld [tilespmem:s27+$0x30];
	[tilespmem:v0+s28+$0x460 ss:$0x1] =	vst.idx.msk $0xffff, v46  }
0x81: {  	v52 =	vld [tilespmem:s27+$0x40];
	[tilespmem:v0+s28+$0x470 ss:$0x1] =	vst.idx.msk $0xffff, v47  }
0x82: {  	v53 =	vld [tilespmem:s27+$0x50];
	[tilespmem:v1+s28+$0xFFFFFC00 ss:$0x1] =	vst.idx.msk $0xffff, v48  }
0x83: {  	v54 =	vld [tilespmem:s27+$0x60];
	[tilespmem:v0+s28+$0x810 ss:$0x1] =	vst.idx.msk $0xffff, v49  }
0x84: {  	v55 =	vld [tilespmem:s27+$0x70];
	[tilespmem:v0+s28+$0x820 ss:$0x1] =	vst.idx.msk $0xffff, v50  }
0x85: {  	v56 =	vld [tilespmem:s27+$0x200];
	[tilespmem:v0+s28+$0x830 ss:$0x1] =	vst.idx.msk $0xffff, v51  }
0x86: {  	v57 =	vld [tilespmem:s27+$0x210];
	[tilespmem:v0+s28+$0x840 ss:$0x1] =	vst.idx.msk $0xffff, v52  }
0x87: {  	v58 =	vld [tilespmem:s27+$0x220];
	[tilespmem:v0+s28+$0x850 ss:$0x1] =	vst.idx.msk $0xffff, v53  }
0x88: {  	v59 =	vld [tilespmem:s27+$0x230];
	[tilespmem:v0+s28+$0x860 ss:$0x1] =	vst.idx.msk $0xffff, v54  }
0x89: {  	v60 =	vld [tilespmem:s27+$0x240];
	[tilespmem:v0+s28+$0x870 ss:$0x1] =	vst.idx.msk $0xffff, v55  }
0x8a: {  	v61 =	vld [tilespmem:s27+$0x250];
	[tilespmem:v1+s28+$0x0 ss:$0x1] =	vst.idx.msk $0xffff, v56  }
0x8b: {  	v62 =	vld [tilespmem:s27+$0x260];
	s25 =	sadd.s32 $0x1, s25;
	[tilespmem:v0+s28+$0xC10 ss:$0x1] =	vst.idx.msk $0xffff, v57  }
0x8c: {  	v63 =	vld [tilespmem:s27+$0xFFFFFC00];
	p0 =	sne.s32 s25, $0x8;
	[tilespmem:v0+s28+$0xC20 ss:$0x1] =	vst.idx.msk $0xffff, v58  }
.Ltmp4:
0x8d: {  	[tilespmem:v0+s28+$0xC30 ss:$0x1] =	vst.idx.msk $0xffff, v59;
	(pc) =	sbr.rel @p0 .LBB1_3-.Ltmp4, $4  }
0x8e: {  	[tilespmem:v0+s28+$0xC40 ss:$0x1] =	vst.idx.msk $0xffff, v60  }
0x8f: {  	[tilespmem:v0+s28+$0xC50 ss:$0x1] =	vst.idx.msk $0xffff, v61  }
0x90: {  	s20 =	sadd.s32 $0x800, s20;
	[tilespmem:v0+s28+$0xC60 ss:$0x1] =	vst.idx.msk $0xffff, v62  }
0x91: {  	s24 =	sadd.s32 $0x80, s24;
	s23 =	sadd.s32 $0x1, s23;
	s21 =	sadd.s32 $0x80, s21;
	[tilespmem:v0+s28+$0x0 ss:$0x1] =	vst.idx.msk $0xffff, v63  }
0x92: {  	s20 =	sand.u32 $0x78, s15;
	s21 =	sshll.u32 s18, $0x7;
	s28 =	sshll.u32 s18, $0xB  }
0x93: {  	s22 =	sshll.u32 s15, $0x3;
	s17 =	sshll.u32 s17, $0xE;
	s16 =	sshll.u32 s16, $0x12  }
0x94: {  	s30 =	sand.u32 $0x7, s15;
	s21 =	sand.u32 $0x380, s21;
	s18 =	sand.u32 $0x1C000, s28  }
0x95: {  	s29 =	sand.u32 $0x400, s22;
	s17 =	sadd.s32 s4, s17;
	s18 =	sadd.s32 s18, s22  }
.Ltmp5:
0x96: {  	s20 =	sor.u32 s21, s20;
	s18 =	sshrl.u32 s18, $0x3;
	(pc) =	sbr.rel .LBB1_7-.Ltmp5, $4  }
0x97: {  	s16 =	sadd.s32 s16, s17;
	s20 =	sor.u32 s29, s20;
	s18 =	sand.u32 $0x3F00, s18  }
0x98: {  	s15 =	sshll.u32 s30, $0x12;
	s31 =	sshrl.u32 s20, $0x3;
	s16 =	sadd.s32 s18, s16  }
0x99: {  	s15 =	sor.u32 $0x1000, s15;
	s16 =	sadd.s32 s31, s16  }
0x9a: {  	[hbm4b:s16+s15] =	stream.strided.scatter [tilespmem:s19], [sflag:$0x2], $0x4000, s8, s15, $0x38;
	[tilespmem:$0x10000] =	vst v63  }
.LBB1_8:
0x9b: {  	_ =	sfence.sel $0x180000  }
0x9c: {  	s1 =	simm.s32 $0x1;
	[bflag:$0x0] =	sbarrier.arrive $0xFFFF  }
0x9d: {  	s31 =	simm.s32 $0x2;
	[sflag:s1] =	ssyncpa.u1 $0x1  }
0x9e: {  	[sflag:s31] =	ssyncpa.u1 $0x1  }
0x9f: {  	p0 =	sne.s32 s2, $0x0;
	_ =	strace $0x90000047  }
0xa0: {  	s0 =	sadd.s32 @!p0 $0x100000, s0;
	[bflag:$0x2] =	sbarrier.arrive $0xFFFF  }
0xa1: {  	[sflag:s0] =	ssyncadd.tile.s32 @!p0 $0x1;
	_ =	shalt  }
.Lfunc_end1:
_tile_overlayer_lowered:
.L_overlay_start_2:
0xa2: {  	(tag) =	ssettag $0x2  }
0xa3: {  	s0 =	rddreg [dreg:$0x0];
	s2 =	stileid.u32  }
0xa4: {  	s1 =	rddreg [dreg:$0x1];
	p0 =	sne.s32 s2, $0x0  }
0xa5: {  	s3 =	rddreg [dreg:$0x2];
	[bflag:$0x3] =	sbarrier.arrive $0xFFFF;
	s2 =	simm.s32 @!p0 $0x1C01  }
0xa6: {  	[timem:s3], [sflag:s2] =	dma.local @!p0 [hbm:s0], s1  }
0xa7: {  	s0 =	simm.s32 @!p0 $0x1  }
0xa8: {  	_ =	swait.ge @!p0 [sflag:s0], s1  }
0xa9: {  	s1 =	ssub.s32 @!p0 $0x0, s1;
	[sflag:s0] =	ssyncset.done @!p0 $0x0  }
0xaa: {  	[sflag:s0] =	ssyncadd.s32 @!p0 s1  }
0xab: {  	[bflag:$0x3] =	sbarrier.arrive $0xFFFF  }
0xac: {  	_ =	shalt  }

// kernel: sparse-core-data-format-call.3.cloned.1.call-start
scs
called_computation.3_lowered:
.L_overlay_start_0:
0x0: {  	s2 =	sld [smem:$0x3FD9]  }
0x1: {  	s3 =	sld [smem:$0x3FFE];
	_ =	sdelay $0x1  }
0x2: {  	s1 =	srdreg.scid  }
0x3: {  	s0 =	sand.u32 $0x1, s1  }
0x4: {  	s18 =	sshll.u32 s0, $0xA;
	s2 =	sadd.s32 s3, s2  }
0x5: {  	s2 =	sadd.s32 s2, s18  }
0x6: {  	[smem:$0x3FC0] =	sst s2  }
0x7: {  	_ = 	snop  }
0x8: {  	s19 =	sld [smem:$0x3FD0];
	(tm) =	ssettm $0x1  }
0x9: {  	s20 =	sld [smem:$0x3FFB];
	_ =	sdelay $0x3  }
0xa: {  	_ =	strace s20  }
0xb: {  	s2 =	sld [smem:$0x3FFC];
	_ =	sdelay $0x3  }
0xc: {  	_ =	strace s2  }
0xd: {  	s2 =	sld [smem:$0x3FFD];
	_ =	sdelay $0x3  }
0xe: {  	_ =	strace s2  }
0xf: {  	_ =	strace $0x8FFFFFFF  }
0x10: {  	s21 =	sld [smem:$0x3FDB];
	_ =	sdelay $0x1  }
0x11: {  	s4 =	simm.s32 $_scs_section_size  }
0x12: {  	s5 =	simm.s32 $_size__tile_overlayer_lowered;
	s6 =	simm.s32 $_tile_overlayer_lowered  }
0x13: {  	s7 =	simm.s32 $0x1BFF;
	s22 =	sshll.u32 s6, $0x1;
	s4 =	sadd.s32 s4, s21  }
0x14: {  	s23 =	simm.s32 $0x0;
	s5 =	sshll.u32 s5, $0x1;
	s6 =	sadd.s32 s22, s4  }
0x15: {  	[timem:s23], [sflag:s7] =	dma.local [hbm:s6], s5  }
0x16: {  	_ =	swait.ge [sflag:s7], s5  }
0x17: {  	s5 =	ssub.s32 $0x0, s5;
	[sflag:s7] =	ssyncset.done $0x0  }
0x18: {  	[sflag:s7] =	ssyncadd.s32 s5;
	_ =	sdelay $0x1  }
0x19: {  	s24 =	simm.s32 $0x1B8B  }
0x1a: {  	_ =	swait.ge [sflag:s24], $0x1  }
0x1b: {  	[sflag:s24] =	ssyncset.done $0x0  }
0x1c: {  	[sflag:s24] =	ssyncadd.s32 $0xFFFFFFFF  }
0x1d: {  	s5 =	sld [smem:$0x0]  }
0x1e: {  	s6 =	sand.u32 $0xFFFFFFFE, s1  }
0x1f: {  	p0 =	sne.s32 s1, s6  }
0x20: {  	s6 =	sshll.u32 @p0 s6, $0xE  }
0x21: {  	s6 =	sadd.s32 @p0 $0x11B8D, s6;
	s7 =	sshll.u32 @p0 s5, $0x11  }
0x22: {  	s6 =	sor.u32 @p0 s7, s6  }
0x23: {  	[sflag:s6] =	ssyncadd.remote.s32 @p0 $0x1;
	_ =	sdelay $0x1  }
0x24: {  	s6 =	simm.s32 @p0 $0x1B8D  }
0x25: {  	_ =	swait.eq @p0 [sflag:s6], $0x1  }
0x26: {  	[sflag:s6] =	ssyncadd.s32 @p0 $0xFFFFFFFF  }
0x27: {  	s7 =	sshll.u32 @!p0 s1, $0xE  }
0x28: {  	s7 =	sor.u32 @!p0 $0x4000, s7;
	s6 =	simm.s32 @!p0 $0x1B8D  }
0x29: {  	s5 =	sshll.u32 @!p0 s5, $0x11;
	s7 =	sadd.s32 @!p0 $0x11B8D, s7;
	_ =	swait.eq @!p0 [sflag:s6], $0x1  }
0x2a: {  	s5 =	sor.u32 @!p0 s5, s7;
	[sflag:s6] =	ssyncadd.s32 @!p0 $0xFFFFFFFF  }
0x2b: {  	s26 =	simm.s32 $0x1B8E;
	s25 =	sld [smem:$0x3FFE];
	[sflag:s5] =	ssyncadd.remote.s32 @!p0 $0x1  }
0x2c: {  	s27 =	simm.s32 $execute0_lowered;
	[smem:$0x3FD2] =	sst s26  }
0x2d: {  	s6 =	sshll.u32 s27, $0x1;
	_ =	strace $0x80000049;
	[dreg:$0x1] =	wrdreg $0xFFFFFFFF  }
0x2e: {  	s28 =	simm.s32 $_size_execute0_lowered;
	s4 =	sadd.s32 s4, s6;
	[dreg:$0x0] =	wrdreg $0x0  }
0x2f: {  	s6 =	sshll.u32 s28, $0x1;
	[dreg:$0x2] =	wrdreg s4  }
0x30: {  	[dreg:$0x3] =	wrdreg s6  }
0x31: {  	[dreg:$0x4] =	wrdreg $0xC0  }
0x32: {  	_ =	task [dreg:s23], $0x5FFFF  }
0x33: {  	[dreg:$0x1] =	wrdreg $0xFFFFFFFF  }
0x34: {  	[dreg:$0x0] =	wrdreg $0x60  }
0x35: {  	[dreg:$0x2] =	wrdreg s19  }
0x36: {  	[dreg:$0x3] =	wrdreg s25  }
0x37: {  	[dreg:$0x4] =	wrdreg $0xA  }
0x38: {  	_ =	task.clear_ibuf [dreg:s23], $0x5FFFF;
	_ =	strace $0x90000049  }
0x39: {  	s29 =	simm.s32 $0xA;
	_ =	strace $0x8000004B  }
0x3a: {  	_ =	swait.ge [sflag:s29], $0x1  }
0x3b: {  	[sflag:s29] =	ssyncadd.s32 $0xFFFFFFFF  }
0x3c: {  	_ =	strace $0x9000004B  }
0x3d: {  	_ =	sfence  }
0x3e: {  	s30 =	sld [smem:$0x0];
	_ =	sdelay $0x2  }
0x3f: {  	s31 =	sshll.u32 s1, $0xD;
	s1 =	sshrl.u32 s1, $0x2  }
0x40: {  	s4 =	sand.u32 $0x4000, s31;
	s1 =	sadd.s32 s1, s30  }
0x41: {  	s0 =	sor.u32 s4, s0;
	s1 =	sshll.u32 s1, $0x11  }
0x42: {  	s0 =	sor.u32 s1, s0  }
0x43: {  	s0 =	sadd.s32 $0x8F2B, s0  }
0x44: {  	[sflag:s0] =	ssyncadd.remote.s32 $0x1  }
0x45: {  	_ =	sfence.sel $0xFFFF  }
0x46: {  	[dreg:$0x0] =	wrdreg $0xFFFFFFFF;
	(pc) =	sbr.abs _section_cstart, $3  }
0x47: {  	[dreg:$0x1] =	wrdreg $0xFFFFFFFF  }
0x48: {  	_ =	task.clear_ibuf [dreg:s23], $0x2FFFF;
	_ =	strace $0x9FFFFFFF  }
0x49: {  	(tm) =	ssettm $0x7FFFFFFF  }
tec
execute0_lowered:
.L_overlay_start_1:
0x0: {  	(tag) =	ssettag $0x1  }
0x1: {  	s0 =	srdreg.scid;
	s1 =	rddreg [dreg:$0x0]  }
0x2: {  	s2 =	rddreg [dreg:$0x1];
	s31 =	simm.s32 $0x2;
	s15 =	simm.s32 $0x0  }
0x3: {  	s8 =	simm.s32 $0x200000;
	s9 =	simm.s32 $0x0;
	s16 =	simm.s32 $0x0  }
0x4: {  	s18 =	simm.s32 $0x0;
	s17 =	simm.s32 $0x0;
	s0 =	sshll.u32 s0, $0x3  }
0x5: {  	s10 =	simm.s32 $0x0;
	s11 =	simm.s32 $0x0;
	s3 =	sand.u32 $0x8, s0  }
0x6: {  	s13 =	stileid.u32;
	s14 =	simm.s32 $0x0;
	s5 =	ssub.s32 $0x40, s3  }
.Ltmp0:
0x7: {  	s4 =	sadd.s32 $0x205A00, s2;
	s6 =	sshrl.u32 s5, $0x3;
	(pc) =	sbr.rel .LBB1_1-.Ltmp0, $4  }
0x8: {  	s0 =	rddreg [dreg:$0x2];
	s7 =	sshrl.u32 s5, $0x4;
	s6 =	sand.u32 $0x1, s6  }
0x9: {  	_ =	strace $0x8000004A;
	s5 =	simm.s32 $0x1;
	s6 =	sadd.s32 s7, s6  }
0xa: {  	s2 =	stileid.u32;
	[sflag:s5] =	ssyncpa.u1 $0x0;
	s6 =	sshll.u32 s6, $0x2  }
0xb: {  	s12 =	smov.u32 s3;
	[sflag:s31] =	ssyncpa.u1 $0x0;
	s7 =	sor.u32 $0x1, s6  }
.LBB1_7:
0xc: {  	s19 =	sadd.s32 $0x200, s10  }
0xd: {  	s15 =	sadd.s32 $0x4, s11;
	s20 =	smov.u32 s11;
	p1 =	sgt.s32 s19, $0x7FF  }
0xe: {  	s20 =	smov.u32 @p1 s15  }
0xf: {  	s21 =	smov.u32 s12;
	s15 =	sadd.s32 $0x10, s12;
	p2 =	sgt.s32 s20, $0x3  }
0x10: {  	s21 =	smov.u32 @p2 s15  }
0x11: {  	s22 =	smov.u32 s13;
	s15 =	sadd.s32 $0x10, s13;
	p3 =	sgt.s32 s21, $0x3F  }
0x12: {  	p0 =	slt.u32 s14, $0x2;
	s22 =	smov.u32 @p3 s15  }
0x13: {  	s16 =	smov.u32 s11;
	s19 =	simm.s32 @p1 $0x0;
	p1 =	sgt.s32 s22, $0xF  }
0x14: {  	s23 =	simm.s32 @!p0 $0x2;
	s22 =	smov.u32 @p1 s2;
	p1 =	sne.s32 s14, s7  }
.Ltmp1:
0x15: {  	s18 =	smov.u32 s12;
	_ =	swait.ge @!p0 [sflag:s23], $0x4000;
	(pc) =	sbr.rel @!p1 .LBB1_8-.Ltmp1, $4  }
0x16: {  	s17 =	smov.u32 s13;
	[sflag:s23] =	ssyncset.done @!p0 $0x0;
	s20 =	simm.s32 @p2 $0x0  }
0x17: {  	s9 =	sadd.s32 $0x4000, s9;
	[sflag:s23] =	ssyncadd.s32 @!p0 $0xFFFFC000;
	s11 =	smov.u32 s20  }
0x18: {  	s21 =	smov.u32 @p3 s3;
	s15 =	smov.u32 s10;
	s10 =	smov.u32 s19  }
0x19: {  	s12 =	smov.u32 s21;
	s14 =	sadd.s32 $0x1, s14;
	s13 =	smov.u32 s22  }
.LBB1_1:
0x1a: {  	p0 =	sge.u32 s14, s6  }
0x1b: {  	s31 =	sadd.s32 $0xFFFFFFFF, s14;
	s19 =	sxor.u32 @!p0 $0xFFFFFFFF, s14;
	s20 =	sshll.u32 @!p0 s11, $0x7  }
0x1c: {  	s21 =	sand.u32 @!p0 $0x78, s10;
	s22 =	sshll.u32 @!p0 s10, $0x2;
	s23 =	sshrl.u32 @!p0 s10, $0x1  }
0x1d: {  	s20 =	sand.u32 @!p0 $0x180, s20;
	s19 =	sshll.u32 @!p0 s19, $0xE;
	s22 =	sand.u32 @!p0 $0x600, s22  }
0x1e: {  	s23 =	sand.u32 @!p0 $0x300, s23;
	s20 =	sor.u32 @!p0 s20, s21;
	s21 =	sshll.u32 @!p0 s13, $0x10  }
0x1f: {  	s20 =	sor.u32 @!p0 s22, s20;
	s22 =	sshll.u32 @!p0 s12, $0xA;
	s21 =	sadd.s32 @!p0 s1, s21  }
0x20: {  	s19 =	sand.u32 @!p0 $0x4000, s19;
	s21 =	sadd.s32 @!p0 s22, s21;
	s22 =	sand.u32 @!p0 $0x7, s10  }
0x21: {  	s20 =	sshrl.u32 @!p0 s20, $0x3;
	s21 =	sadd.s32 @!p0 s23, s21;
	s22 =	sshll.u32 @!p0 s22, $0x12  }
0x22: {  	s20 =	sadd.s32 @!p0 s20, s21;
	s21 =	sor.u32 @!p0 $0x800, s22;
	s22 =	simm.s32 @!p0 $0x2000  }
0x23: {  	[tilespmem:s19], [sflag:$0x1] =	stream.strided.gather @!p0 [hbm4b:s20+s21], $0x4000, s22, s21, $0x38;
	[tilespmem:$0x10000] =	vst v63  }
0x24: {  	p0 =	sge.u32 s31, s6  }
.Ltmp2:
0x25: {  	_ = 	snop;
	(pc) =	sbr.rel @p0 .LBB1_7-.Ltmp2, $1  }
0x26: {  	_ =	sdelay $0x3  }
0x27: {  	s19 =	sshll.u32 s9, $0x2;
	_ =	swait.ge [sflag:s5], $0x4000;
	s31 =	sshll.u32 s14, $0xE  }
0x28: {  	s23 =	simm.s32 $0x0;
	s24 =	simm.s32 $0x0;
	s19 =	sand.u32 $0x10000, s19  }
0x29: {  	s25 =	simm.s32 $0x0;
	[sflag:s5] =	ssyncset.done $0x0;
	s22 =	sshrl.u32 s19, $0x2  }
0x2a: {  	s19 =	sand.u32 $0x4000, s31;
	[sflag:s5] =	ssyncadd.s32 $0xFFFFC000;
	s20 =	sor.u32 $0x400, s22  }
0x2b: {  	s21 =	sor.u32 $0x8000, s22;
	s19 =	sor.u32 $0x8000, s19;
	s22 =	sadd.s32 $0x8C00, s22  }
.LBB1_3:
0x2c: {  	v0 =	vmov s21;
	v1 =	vld [tilespmem:s20+$0x270]  }
0x2d: {  	v2 =	vld [tilespmem:s20+$0xFFFFFC10]  }
0x2e: {  	v3 =	vld [tilespmem:s20+$0xFFFFFC20]  }
0x2f: {  	s26 =	sshll.u32 s24, $0x2;
	s27 =	sand.u32 $0x3, s23;
	v4 =	vld [tilespmem:s20+$0xFFFFFC30]  }
0x30: {  	v5 =	vld [tilespmem:s20+$0xFFFFFC40];
	s28 =	sand.u32 $0xFFFFF800, s26;
	s27 =	sshll.u32 s27, $0x9;
	s26 =	simm.s32 $0x0  }
0x31: {  	v6 =	vld [tilespmem:s20+$0xFFFFFC50];
	s27 =	sor.u32 s27, s28;
	[tilespmem:v0+s26+$0xC70 ss:$0x1] =	vst.idx.msk $0xffff, v1  }
0x32: {  	v7 =	vld [tilespmem:s20+$0x220];
	s27 =	sshrl.u32 s27, $0x2;
	[tilespmem:v0+s26+$0x10 ss:$0x1] =	vst.idx.msk $0xffff, v2  }
0x33: {  	v8 =	vld [tilespmem:s20+$0x230];
	s27 =	sadd.s32 s27, s22;
	[tilespmem:v0+s26+$0x20 ss:$0x1] =	vst.idx.msk $0xffff, v3  }
0x34: {  	v1 =	vmov s27;
	[tilespmem:v0+s26+$0x30 ss:$0x1] =	vst.idx.msk $0xffff, v4;
	v4 =	vld [tilespmem:s20+$0xFFFFFE00]  }
0x35: {  	[tilespmem:v0+s26+$0x40 ss:$0x1] =	vst.idx.msk $0xffff, v5;
	v5 =	vld [tilespmem:s20+$0xFFFFFE10]  }
0x36: {  	[tilespmem:v0+s26+$0x50 ss:$0x1] =	vst.idx.msk $0xffff, v6;
	v6 =	vld [tilespmem:s20+$0xFFFFFE20]  }
0x37: {  	v2 =	vld [tilespmem:s20+$0xFFFFFC60];
	[tilespmem:v0+s26+$0xC20 ss:$0x1] =	vst.idx.msk $0xffff, v7  }
0x38: {  	v3 =	vld [tilespmem:s20+$0xFFFFFC70];
	[tilespmem:v0+s26+$0xC30 ss:$0x1] =	vst.idx.msk $0xffff, v8  }
0x39: {  	[tilespmem:v1+s26+$0xFFFFF800 ss:$0x1] =	vst.idx.msk $0xffff, v4;
	v4 =	vld [tilespmem:s20+$0xFFFFFE50]  }
0x3a: {  	[tilespmem:v0+s26+$0x410 ss:$0x1] =	vst.idx.msk $0xffff, v5;
	v5 =	vld [tilespmem:s20+$0xFFFFFE60]  }
0x3b: {  	[tilespmem:v0+s26+$0x420 ss:$0x1] =	vst.idx.msk $0xffff, v6;
	v6 =	vld [tilespmem:s20+$0xFFFFFE70]  }
0x3c: {  	[tilespmem:v0+s26+$0x60 ss:$0x1] =	vst.idx.msk $0xffff, v2;
	v2 =	vld [tilespmem:s20+$0xFFFFFE30]  }
0x3d: {  	[tilespmem:v0+s26+$0x70 ss:$0x1] =	vst.idx.msk $0xffff, v3;
	v3 =	vld [tilespmem:s20+$0xFFFFFE40]  }
0x3e: {  	[tilespmem:v0+s26+$0x450 ss:$0x1] =	vst.idx.msk $0xffff, v4;
	v4 =	vld [tilespmem:s20+$0x20]  }
0x3f: {  	[tilespmem:v0+s26+$0x460 ss:$0x1] =	vst.idx.msk $0xffff, v5;
	v5 =	vld [tilespmem:s20+$0x30]  }
0x40: {  	[tilespmem:v0+s26+$0x470 ss:$0x1] =	vst.idx.msk $0xffff, v6;
	v6 =	vld [tilespmem:s20+$0x40]  }
0x41: {  	[tilespmem:v0+s26+$0x430 ss:$0x1] =	vst.idx.msk $0xffff, v2;
	v2 =	vld [tilespmem:s20+$0x0]  }
0x42: {  	[tilespmem:v0+s26+$0x440 ss:$0x1] =	vst.idx.msk $0xffff, v3;
	v3 =	vld [tilespmem:s20+$0x10]  }
0x43: {  	[tilespmem:v0+s26+$0x820 ss:$0x1] =	vst.idx.msk $0xffff, v4;
	v4 =	vld [tilespmem:s20+$0x70]  }
0x44: {  	[tilespmem:v0+s26+$0x830 ss:$0x1] =	vst.idx.msk $0xffff, v5;
	v5 =	vld [tilespmem:s20+$0x200]  }
0x45: {  	[tilespmem:v0+s26+$0x840 ss:$0x1] =	vst.idx.msk $0xffff, v6;
	v6 =	vld [tilespmem:s20+$0x210]  }
0x46: {  	[tilespmem:v1+s26+$0xFFFFFC00 ss:$0x1] =	vst.idx.msk $0xffff, v2;
	v2 =	vld [tilespmem:s20+$0x50]  }
0x47: {  	[tilespmem:v0+s26+$0x810 ss:$0x1] =	vst.idx.msk $0xffff, v3;
	v3 =	vld [tilespmem:s20+$0x60]  }
0x48: {  	[tilespmem:v0+s26+$0x870 ss:$0x1] =	vst.idx.msk $0xffff, v4;
	v4 =	vld [tilespmem:s20+$0x240]  }
0x49: {  	[tilespmem:v1+s26+$0x0 ss:$0x1] =	vst.idx.msk $0xffff, v5;
	v5 =	vld [tilespmem:s20+$0x250]  }
0x4a: {  	[tilespmem:v0+s26+$0xC10 ss:$0x1] =	vst.idx.msk $0xffff, v6;
	v6 =	vld [tilespmem:s20+$0x260]  }
0x4b: {  	s27 =	sadd.s32 $0x80, s20;
	[tilespmem:v0+s26+$0x850 ss:$0x1] =	vst.idx.msk $0xffff, v2;
	v2 =	vld [tilespmem:s20+$0xFFFFFC00]  }
0x4c: {  	s29 =	simm.s32 $0x8000;
	s28 =	simm.s32 $0x4000;
	[tilespmem:v0+s26+$0x860 ss:$0x1] =	vst.idx.msk $0xffff, v3;
	v3 =	vld [tilespmem:s27+$0x270]  }
.LBB1_4:
0x4d: {  	p0 =	sne.s32 s29, $0xC000;
	v7 =	vld [tilespmem:s27+$0xFFFFFC10];
	[tilespmem:v0+s26+$0xC40 ss:$0x1] =	vst.idx.msk $0xffff, v4  }
0x4e: {  	v4 =	vld [tilespmem:s27+$0xFFFFFC20];
	[tilespmem:v0+s26+$0xC50 ss:$0x1] =	vst.idx.msk $0xffff, v5  }
0x4f: {  	v5 =	vld [tilespmem:s27+$0xFFFFFC30];
	[tilespmem:v0+s26+$0xC60 ss:$0x1] =	vst.idx.msk $0xffff, v6  }
0x50: {  	v6 =	vld [tilespmem:s27+$0xFFFFFC40];
	[tilespmem:v0+s26+$0x0 ss:$0x1] =	vst.idx.msk $0xffff, v2;
	s26 =	sshra.s32 s28, $0x2;
	s28 =	smov.u32 s29  }
0x51: {  	v2 =	vld [tilespmem:s27+$0xFFFFFC50];
	[tilespmem:v0+s26+$0xC70 ss:$0x1] =	vst.idx.msk $0xffff, v3  }
0x52: {  	[tilespmem:v0+s26+$0x10 ss:$0x1] =	vst.idx.msk $0xffff, v7;
	v3 =	vld [tilespmem:s27+$0xFFFFFC60]  }
0x53: {  	[tilespmem:v0+s26+$0x20 ss:$0x1] =	vst.idx.msk $0xffff, v4;
	v4 =	vld [tilespmem:s27+$0xFFFFFC70]  }
0x54: {  	[tilespmem:v0+s26+$0x30 ss:$0x1] =	vst.idx.msk $0xffff, v5;
	v5 =	vld [tilespmem:s27+$0xFFFFFE00]  }
0x55: {  	[tilespmem:v0+s26+$0x40 ss:$0x1] =	vst.idx.msk $0xffff, v6;
	v6 =	vld [tilespmem:s27+$0xFFFFFE10]  }
0x56: {  	[tilespmem:v0+s26+$0x50 ss:$0x1] =	vst.idx.msk $0xffff, v2;
	v2 =	vld [tilespmem:s27+$0xFFFFFE20]  }
0x57: {  	[tilespmem:v0+s26+$0x60 ss:$0x1] =	vst.idx.msk $0xffff, v3;
	v3 =	vld [tilespmem:s27+$0xFFFFFE30]  }
0x58: {  	[tilespmem:v0+s26+$0x70 ss:$0x1] =	vst.idx.msk $0xffff, v4;
	v4 =	vld [tilespmem:s27+$0xFFFFFE40]  }
0x59: {  	[tilespmem:v1+s26+$0xFFFFF800 ss:$0x1] =	vst.idx.msk $0xffff, v5;
	v5 =	vld [tilespmem:s27+$0xFFFFFE50]  }
0x5a: {  	[tilespmem:v0+s26+$0x410 ss:$0x1] =	vst.idx.msk $0xffff, v6;
	v6 =	vld [tilespmem:s27+$0xFFFFFE60]  }
0x5b: {  	[tilespmem:v0+s26+$0x420 ss:$0x1] =	vst.idx.msk $0xffff, v2;
	v2 =	vld [tilespmem:s27+$0xFFFFFE70]  }
0x5c: {  	[tilespmem:v0+s26+$0x430 ss:$0x1] =	vst.idx.msk $0xffff, v3;
	v3 =	vld [tilespmem:s27+$0x0]  }
0x5d: {  	[tilespmem:v0+s26+$0x440 ss:$0x1] =	vst.idx.msk $0xffff, v4;
	v4 =	vld [tilespmem:s27+$0x10]  }
0x5e: {  	[tilespmem:v0+s26+$0x450 ss:$0x1] =	vst.idx.msk $0xffff, v5;
	v5 =	vld [tilespmem:s27+$0x20]  }
0x5f: {  	[tilespmem:v0+s26+$0x460 ss:$0x1] =	vst.idx.msk $0xffff, v6;
	v6 =	vld [tilespmem:s27+$0x30]  }
0x60: {  	[tilespmem:v0+s26+$0x470 ss:$0x1] =	vst.idx.msk $0xffff, v2;
	v2 =	vld [tilespmem:s27+$0x40]  }
0x61: {  	[tilespmem:v1+s26+$0xFFFFFC00 ss:$0x1] =	vst.idx.msk $0xffff, v3;
	v3 =	vld [tilespmem:s27+$0x50]  }
0x62: {  	[tilespmem:v0+s26+$0x810 ss:$0x1] =	vst.idx.msk $0xffff, v4;
	v4 =	vld [tilespmem:s27+$0x60]  }
0x63: {  	[tilespmem:v0+s26+$0x820 ss:$0x1] =	vst.idx.msk $0xffff, v5;
	v5 =	vld [tilespmem:s27+$0x70]  }
0x64: {  	[tilespmem:v0+s26+$0x830 ss:$0x1] =	vst.idx.msk $0xffff, v6;
	v6 =	vld [tilespmem:s27+$0x200]  }
0x65: {  	[tilespmem:v0+s26+$0x840 ss:$0x1] =	vst.idx.msk $0xffff, v2;
	v2 =	vld [tilespmem:s27+$0x210]  }
0x66: {  	[tilespmem:v0+s26+$0x850 ss:$0x1] =	vst.idx.msk $0xffff, v3;
	v3 =	vld [tilespmem:s27+$0x220]  }
0x67: {  	[tilespmem:v0+s26+$0x860 ss:$0x1] =	vst.idx.msk $0xffff, v4;
	v7 =	vld [tilespmem:s27+$0x230]  }
.Ltmp3:
0x68: {  	[tilespmem:v0+s26+$0x870 ss:$0x1] =	vst.idx.msk $0xffff, v5;
	v4 =	vld [tilespmem:s27+$0x240];
	(pc) =	sbr.rel @p0 .LBB1_4-.Ltmp3, $4  }
0x69: {  	[tilespmem:v1+s26+$0x0 ss:$0x1] =	vst.idx.msk $0xffff, v6;
	v5 =	vld [tilespmem:s27+$0x250]  }
0x6a: {  	[tilespmem:v0+s26+$0xC10 ss:$0x1] =	vst.idx.msk $0xffff, v2;
	v6 =	vld [tilespmem:s27+$0x260]  }
0x6b: {  	v2 =	vld [tilespmem:s27+$0xFFFFFC00];
	[tilespmem:v0+s26+$0xC20 ss:$0x1] =	vst.idx.msk $0xffff, v3;
	s27 =	sadd.s32 $0x80, s27  }
0x6c: {  	s29 =	sadd.s32 $0x4000, s29;
	v3 =	vld [tilespmem:s27+$0x270];
	[tilespmem:v0+s26+$0xC30 ss:$0x1] =	vst.idx.msk $0xffff, v7  }
0x6d: {  	_ =	sdelay $0x3  }
0x6e: {  	v7 =	vld [tilespmem:s27+$0xFFFFFC10];
	[tilespmem:v0+s26+$0xC40 ss:$0x1] =	vst.idx.msk $0xffff, v4  }
0x6f: {  	v34 =	vld [tilespmem:s27+$0xFFFFFC20];
	[tilespmem:v0+s26+$0xC50 ss:$0x1] =	vst.idx.msk $0xffff, v5  }
0x70: {  	v35 =	vld [tilespmem:s27+$0xFFFFFC30];
	[tilespmem:v0+s26+$0xC60 ss:$0x1] =	vst.idx.msk $0xffff, v6  }
0x71: {  	s28 =	sshra.s32 s28, $0x2;
	v36 =	vld [tilespmem:s27+$0xFFFFFC40];
	[tilespmem:v0+s26+$0x0 ss:$0x1] =	vst.idx.msk $0xffff, v2  }
0x72: {  	v37 =	vld [tilespmem:s27+$0xFFFFFC50];
	[tilespmem:v0+s28+$0xC70 ss:$0x1] =	vst.idx.msk $0xffff, v3  }
0x73: {  	v38 =	vld [tilespmem:s27+$0xFFFFFC60];
	[tilespmem:v0+s28+$0x10 ss:$0x1] =	vst.idx.msk $0xffff, v7  }
0x74: {  	v39 =	vld [tilespmem:s27+$0xFFFFFC70];
	[tilespmem:v0+s28+$0x20 ss:$0x1] =	vst.idx.msk $0xffff, v34  }
0x75: {  	v40 =	vld [tilespmem:s27+$0xFFFFFE00];
	[tilespmem:v0+s28+$0x30 ss:$0x1] =	vst.idx.msk $0xffff, v35  }
0x76: {  	v41 =	vld [tilespmem:s27+$0xFFFFFE10];
	[tilespmem:v0+s28+$0x40 ss:$0x1] =	vst.idx.msk $0xffff, v36  }
0x77: {  	v42 =	vld [tilespmem:s27+$0xFFFFFE20];
	[tilespmem:v0+s28+$0x50 ss:$0x1] =	vst.idx.msk $0xffff, v37  }
0x78: {  	v43 =	vld [tilespmem:s27+$0xFFFFFE30];
	[tilespmem:v0+s28+$0x60 ss:$0x1] =	vst.idx.msk $0xffff, v38  }
0x79: {  	v44 =	vld [tilespmem:s27+$0xFFFFFE40];
	[tilespmem:v0+s28+$0x70 ss:$0x1] =	vst.idx.msk $0xffff, v39  }
0x7a: {  	v45 =	vld [tilespmem:s27+$0xFFFFFE50];
	[tilespmem:v1+s28+$0xFFFFF800 ss:$0x1] =	vst.idx.msk $0xffff, v40  }
0x7b: {  	v46 =	vld [tilespmem:s27+$0xFFFFFE60];
	[tilespmem:v0+s28+$0x410 ss:$0x1] =	vst.idx.msk $0xffff, v41  }
0x7c: {  	v47 =	vld [tilespmem:s27+$0xFFFFFE70];
	[tilespmem:v0+s28+$0x420 ss:$0x1] =	vst.idx.msk $0xffff, v42  }
0x7d: {  	v48 =	vld [tilespmem:s27+$0x0];
	[tilespmem:v0+s28+$0x430 ss:$0x1] =	vst.idx.msk $0xffff, v43  }
0x7e: {  	v49 =	vld [tilespmem:s27+$0x10];
	[tilespmem:v0+s28+$0x440 ss:$0x1] =	vst.idx.msk $0xffff, v44  }
0x7f: {  	v50 =	vld [tilespmem:s27+$0x20];
	[tilespmem:v0+s28+$0x450 ss:$0x1] =	vst.idx.msk $0xffff, v45  }
0x80: {  	v51 =	vld [tilespmem:s27+$0x30];
	[tilespmem:v0+s28+$0x460 ss:$0x1] =	vst.idx.msk $0xffff, v46  }
0x81: {  	v52 =	vld [tilespmem:s27+$0x40];
	[tilespmem:v0+s28+$0x470 ss:$0x1] =	vst.idx.msk $0xffff, v47  }
0x82: {  	v53 =	vld [tilespmem:s27+$0x50];
	[tilespmem:v1+s28+$0xFFFFFC00 ss:$0x1] =	vst.idx.msk $0xffff, v48  }
0x83: {  	v54 =	vld [tilespmem:s27+$0x60];
	[tilespmem:v0+s28+$0x810 ss:$0x1] =	vst.idx.msk $0xffff, v49  }
0x84: {  	v55 =	vld [tilespmem:s27+$0x70];
	[tilespmem:v0+s28+$0x820 ss:$0x1] =	vst.idx.msk $0xffff, v50  }
0x85: {  	v56 =	vld [tilespmem:s27+$0x200];
	[tilespmem:v0+s28+$0x830 ss:$0x1] =	vst.idx.msk $0xffff, v51  }
0x86: {  	v57 =	vld [tilespmem:s27+$0x210];
	[tilespmem:v0+s28+$0x840 ss:$0x1] =	vst.idx.msk $0xffff, v52  }
0x87: {  	v58 =	vld [tilespmem:s27+$0x220];
	[tilespmem:v0+s28+$0x850 ss:$0x1] =	vst.idx.msk $0xffff, v53  }
0x88: {  	v59 =	vld [tilespmem:s27+$0x230];
	[tilespmem:v0+s28+$0x860 ss:$0x1] =	vst.idx.msk $0xffff, v54  }
0x89: {  	v60 =	vld [tilespmem:s27+$0x240];
	[tilespmem:v0+s28+$0x870 ss:$0x1] =	vst.idx.msk $0xffff, v55  }
0x8a: {  	v61 =	vld [tilespmem:s27+$0x250];
	[tilespmem:v1+s28+$0x0 ss:$0x1] =	vst.idx.msk $0xffff, v56  }
0x8b: {  	v62 =	vld [tilespmem:s27+$0x260];
	s25 =	sadd.s32 $0x1, s25;
	[tilespmem:v0+s28+$0xC10 ss:$0x1] =	vst.idx.msk $0xffff, v57  }
0x8c: {  	v63 =	vld [tilespmem:s27+$0xFFFFFC00];
	p0 =	sne.s32 s25, $0x8;
	[tilespmem:v0+s28+$0xC20 ss:$0x1] =	vst.idx.msk $0xffff, v58  }
.Ltmp4:
0x8d: {  	[tilespmem:v0+s28+$0xC30 ss:$0x1] =	vst.idx.msk $0xffff, v59;
	(pc) =	sbr.rel @p0 .LBB1_3-.Ltmp4, $4  }
0x8e: {  	[tilespmem:v0+s28+$0xC40 ss:$0x1] =	vst.idx.msk $0xffff, v60  }
0x8f: {  	[tilespmem:v0+s28+$0xC50 ss:$0x1] =	vst.idx.msk $0xffff, v61  }
0x90: {  	s20 =	sadd.s32 $0x800, s20;
	[tilespmem:v0+s28+$0xC60 ss:$0x1] =	vst.idx.msk $0xffff, v62  }
0x91: {  	s24 =	sadd.s32 $0x80, s24;
	s23 =	sadd.s32 $0x1, s23;
	s21 =	sadd.s32 $0x80, s21;
	[tilespmem:v0+s28+$0x0 ss:$0x1] =	vst.idx.msk $0xffff, v63  }
0x92: {  	s20 =	sand.u32 $0x78, s15;
	s21 =	sshll.u32 s18, $0x7;
	s28 =	sshll.u32 s18, $0xB  }
0x93: {  	s22 =	sshll.u32 s15, $0x3;
	s17 =	sshll.u32 s17, $0xE;
	s16 =	sshll.u32 s16, $0x12  }
0x94: {  	s30 =	sand.u32 $0x7, s15;
	s21 =	sand.u32 $0x380, s21;
	s18 =	sand.u32 $0x1C000, s28  }
0x95: {  	s29 =	sand.u32 $0x400, s22;
	s17 =	sadd.s32 s4, s17;
	s18 =	sadd.s32 s18, s22  }
.Ltmp5:
0x96: {  	s20 =	sor.u32 s21, s20;
	s18 =	sshrl.u32 s18, $0x3;
	(pc) =	sbr.rel .LBB1_7-.Ltmp5, $4  }
0x97: {  	s16 =	sadd.s32 s16, s17;
	s20 =	sor.u32 s29, s20;
	s18 =	sand.u32 $0x3F00, s18  }
0x98: {  	s15 =	sshll.u32 s30, $0x12;
	s31 =	sshrl.u32 s20, $0x3;
	s16 =	sadd.s32 s18, s16  }
0x99: {  	s15 =	sor.u32 $0x1000, s15;
	s16 =	sadd.s32 s31, s16  }
0x9a: {  	[hbm4b:s16+s15] =	stream.strided.scatter [tilespmem:s19], [sflag:$0x2], $0x4000, s8, s15, $0x38;
	[tilespmem:$0x10000] =	vst v63  }
.LBB1_8:
0x9b: {  	_ =	sfence.sel $0x180000  }
0x9c: {  	s1 =	simm.s32 $0x1;
	[bflag:$0x0] =	sbarrier.arrive $0xFFFF  }
0x9d: {  	s31 =	simm.s32 $0x2;
	[sflag:s1] =	ssyncpa.u1 $0x1  }
0x9e: {  	[sflag:s31] =	ssyncpa.u1 $0x1  }
0x9f: {  	p0 =	sne.s32 s2, $0x0;
	_ =	strace $0x9000004A  }
0xa0: {  	s0 =	sadd.s32 @!p0 $0x100000, s0;
	[bflag:$0x2] =	sbarrier.arrive $0xFFFF  }
0xa1: {  	[sflag:s0] =	ssyncadd.tile.s32 @!p0 $0x1;
	_ =	shalt  }
.Lfunc_end1:
_tile_overlayer_lowered:
.L_overlay_start_2:
0xa2: {  	(tag) =	ssettag $0x2  }
0xa3: {  	s0 =	rddreg [dreg:$0x0];
	s2 =	stileid.u32  }
0xa4: {  	s1 =	rddreg [dreg:$0x1];
	p0 =	sne.s32 s2, $0x0  }
0xa5: {  	s3 =	rddreg [dreg:$0x2];
	[bflag:$0x3] =	sbarrier.arrive $0xFFFF;
	s2 =	simm.s32 @!p0 $0x1C01  }
0xa6: {  	[timem:s3], [sflag:s2] =	dma.local @!p0 [hbm:s0], s1  }
0xa7: {  	s0 =	simm.s32 @!p0 $0x1  }
0xa8: {  	_ =	swait.ge @!p0 [sflag:s0], s1  }
0xa9: {  	s1 =	ssub.s32 @!p0 $0x0, s1;
	[sflag:s0] =	ssyncset.done @!p0 $0x0  }
0xaa: {  	[sflag:s0] =	ssyncadd.s32 @!p0 s1  }
0xab: {  	[bflag:$0x3] =	sbarrier.arrive $0xFFFF  }
0xac: {  	_ =	shalt  }

// kernel: sparse-core-data-format-call.cloned.1.call-start
scs
called_computation_lowered:
.L_overlay_start_0:
0x0: {  	s2 =	sld [smem:$0x3FD9]  }
0x1: {  	s3 =	sld [smem:$0x3FFE];
	_ =	sdelay $0x1  }
0x2: {  	s1 =	srdreg.scid  }
0x3: {  	s0 =	sand.u32 $0x1, s1  }
0x4: {  	s18 =	sshll.u32 s0, $0xA;
	s2 =	sadd.s32 s3, s2  }
0x5: {  	s2 =	sadd.s32 s2, s18  }
0x6: {  	[smem:$0x3FC0] =	sst s2  }
0x7: {  	_ = 	snop  }
0x8: {  	s2 =	sld [smem:$0x3FD0];
	(tm) =	ssettm $0x1  }
0x9: {  	s19 =	sld [smem:$0x3FFB];
	_ =	sdelay $0x3  }
0xa: {  	_ =	strace s19  }
0xb: {  	s3 =	sld [smem:$0x3FFC];
	_ =	sdelay $0x3  }
0xc: {  	_ =	strace s3  }
0xd: {  	s3 =	sld [smem:$0x3FFD];
	_ =	sdelay $0x3  }
0xe: {  	_ =	strace s3  }
0xf: {  	_ =	strace $0x8FFFFFFF  }
0x10: {  	s20 =	sld [smem:$0x3FDB];
	_ =	sdelay $0x1  }
0x11: {  	s4 =	simm.s32 $_scs_section_size  }
0x12: {  	s5 =	simm.s32 $_size__tile_overlayer_lowered;
	s6 =	simm.s32 $_tile_overlayer_lowered  }
0x13: {  	s23 =	simm.s32 $0x1BFF;
	s22 =	sshll.u32 s6, $0x1;
	s3 =	sadd.s32 s4, s20  }
0x14: {  	s7 =	simm.s32 $0x0;
	s21 =	sshll.u32 s5, $0x1;
	s5 =	sadd.s32 s22, s3  }
0x15: {  	[timem:s7], [sflag:s23] =	dma.local [hbm:s5], s21  }
0x16: {  	_ =	swait.ge [sflag:s23], s21  }
0x17: {  	s4 =	ssub.s32 $0x0, s21;
	[sflag:s23] =	ssyncset.done $0x0  }
0x18: {  	[sflag:s23] =	ssyncadd.s32 s4;
	_ =	sdelay $0x1  }
0x19: {  	s24 =	simm.s32 $0x1B8B  }
0x1a: {  	_ =	swait.ge [sflag:s24], $0x1  }
0x1b: {  	[sflag:s24] =	ssyncset.done $0x0  }
0x1c: {  	s26 =	simm.s32 $0x1B8E;
	s25 =	sld [smem:$0x3FFE];
	[sflag:s24] =	ssyncadd.s32 $0xFFFFFFFF  }
0x1d: {  	s27 =	simm.s32 $execute0_lowered;
	[smem:$0x3FD2] =	sst s26  }
0x1e: {  	s5 =	sshll.u32 s27, $0x1;
	_ =	strace $0x8000004F;
	[dreg:$0x1] =	wrdreg $0xFFFFFFFF  }
0x1f: {  	s28 =	simm.s32 $_size_execute0_lowered;
	s3 =	sadd.s32 s3, s5;
	[dreg:$0x0] =	wrdreg $0x0  }
0x20: {  	s5 =	sshll.u32 s28, $0x1;
	[dreg:$0x2] =	wrdreg s3  }
0x21: {  	[dreg:$0x3] =	wrdreg s5  }
0x22: {  	[dreg:$0x4] =	wrdreg $0xC0  }
0x23: {  	_ =	task [dreg:s7], $0x5FFFF  }
0x24: {  	[dreg:$0x1] =	wrdreg $0xFFFFFFFF  }
0x25: {  	[dreg:$0x0] =	wrdreg $0x60  }
0x26: {  	[dreg:$0x2] =	wrdreg s25  }
0x27: {  	[dreg:$0x3] =	wrdreg s2  }
0x28: {  	[dreg:$0x4] =	wrdreg $0x9  }
0x29: {  	_ =	task.clear_ibuf [dreg:s7], $0x5FFFF;
	_ =	strace $0x9000004F  }
0x2a: {  	s29 =	simm.s32 $0x9;
	_ =	strace $0x80000051  }
0x2b: {  	_ =	swait.ge [sflag:s29], $0x1  }
0x2c: {  	[sflag:s29] =	ssyncadd.s32 $0xFFFFFFFF  }
0x2d: {  	_ =	strace $0x90000051  }
0x2e: {  	_ =	sfence  }
0x2f: {  	s30 =	sld [smem:$0x0];
	_ =	sdelay $0x2  }
0x30: {  	s31 =	sshll.u32 s1, $0xD;
	s1 =	sshrl.u32 s1, $0x2  }
0x31: {  	s3 =	sand.u32 $0x4000, s31;
	s1 =	sadd.s32 s1, s30  }
0x32: {  	s0 =	sor.u32 s3, s0;
	s1 =	sshll.u32 s1, $0x11  }
0x33: {  	s0 =	sor.u32 s1, s0  }
0x34: {  	s0 =	sadd.s32 $0x8F2B, s0  }
0x35: {  	[sflag:s0] =	ssyncadd.remote.s32 $0x1  }
0x36: {  	_ =	sfence.sel $0xFFFF  }
0x37: {  	[dreg:$0x0] =	wrdreg $0xFFFFFFFF;
	(pc) =	sbr.abs _section_cstart, $3  }
0x38: {  	[dreg:$0x1] =	wrdreg $0xFFFFFFFF  }
0x39: {  	_ =	task.clear_ibuf [dreg:s7], $0x2FFFF;
	_ =	strace $0x9FFFFFFF  }
0x3a: {  	(tm) =	ssettm $0x7FFFFFFF  }
0x3b: {  	_ =	shalt  }
tec
execute0_lowered:
.L_overlay_start_1:
0x0: {  	(tag) =	ssettag $0x1  }
0x1: {  	s1 =	rddreg [dreg:$0x0]  }
0x2: {  	s2 =	rddreg [dreg:$0x1]  }
0x3: {  	s0 =	rddreg [dreg:$0x2];
	_ =	strace $0x80000050;
	s4 =	srdreg.scid  }
0x4: {  	s6 =	simm.s32 $0x2;
	s12 =	simm.s32 $0x0;
	p0 =	por $0x0, $0x0  }
0x5: {  	s13 =	simm.s32 $0x0;
	s15 =	simm.s32 $0x0;
	s14 =	simm.s32 $0x0  }
.Ltmp0:
0x6: {  	s8 =	simm.s32 $0x0;
	s9 =	simm.s32 $0x0;
	(pc) =	sbr.rel .LBB1_1-.Ltmp0, $4  }
0x7: {  	s10 =	simm.s32 $0x0;
	s3 =	sadd.s32 $0x5A00, s1;
	s5 =	sshll.u32 s4, $0x4  }
0x8: {  	s1 =	stileid.u32;
	s4 =	simm.s32 $0x1;
	s5 =	sand.u32 $0x10, s5  }
0x9: {  	s7 =	simm.s32 $0x0;
	[sflag:s4] =	ssyncpa.u1 $0x0;
	s5 =	sor.u32 s1, s5  }
0xa: {  	[sflag:s6] =	ssyncpa.u1 $0x0;
	s6 =	simm.s32 $0x4000;
	s11 =	smov.u32 s5  }
.LBB1_7:
0xb: {  	s16 =	sadd.s32 $0x200, s8  }
0xc: {  	s12 =	sadd.s32 $0x4, s9;
	s17 =	smov.u32 s9;
	p2 =	sgt.s32 s16, $0x7FF  }
0xd: {  	s17 =	smov.u32 @p2 s12  }
0xe: {  	s18 =	smov.u32 s10;
	s12 =	sadd.s32 $0x8, s10;
	p3 =	sgt.s32 s17, $0x3  }
0xf: {  	s18 =	smov.u32 @p3 s12  }
0x10: {  	s19 =	smov.u32 s11;
	s12 =	sadd.s32 $0x20, s11;
	p4 =	sgt.s32 s18, $0x7  }
0x11: {  	p1 =	slt.u32 s7, $0x2;
	s19 =	smov.u32 @p4 s12  }
0x12: {  	s7 =	sadd.s32 $0x1, s7;
	s16 =	simm.s32 @p2 $0x0;
	p2 =	sgt.s32 s19, $0x7F  }
0x13: {  	s20 =	simm.s32 @!p1 $0x2;
	s19 =	smov.u32 @p2 s5;
	p2 =	sne.s32 s7, $0x12  }
.Ltmp1:
0x14: {  	s13 =	smov.u32 s9;
	_ =	swait.ge @!p1 [sflag:s20], $0x4000;
	(pc) =	sbr.rel @!p2 .LBB1_8-.Ltmp1, $4  }
0x15: {  	s15 =	smov.u32 s10;
	s14 =	smov.u32 s11;
	[sflag:s20] =	ssyncset.done @!p1 $0x0  }
0x16: {  	p0 =	por !p0, !p0;
	s17 =	simm.s32 @p3 $0x0;
	[sflag:s20] =	ssyncadd.s32 @!p1 $0xFFFFC000  }
0x17: {  	s9 =	smov.u32 s17;
	s18 =	simm.s32 @p4 $0x0;
	s12 =	smov.u32 s8  }
0x18: {  	s8 =	smov.u32 s16;
	s10 =	smov.u32 s18;
	s11 =	smov.u32 s19  }
.LBB1_1:
0x19: {  	p1 =	sgt.u32 s7, $0xF  }
0x1a: {  	s16 =	sxor.u32 @!p1 $0xFFFFFFFF, s7;
	s17 =	sshll.u32 @!p1 s9, $0x7  }
0x1b: {  	s18 =	sand.u32 @!p1 $0x78, s8;
	s19 =	sshll.u32 @!p1 s8, $0x2;
	s20 =	sshrl.u32 @!p1 s8, $0x1  }
0x1c: {  	s17 =	sand.u32 @!p1 $0x180, s17;
	s16 =	sshll.u32 @!p1 s16, $0xE;
	s19 =	sand.u32 @!p1 $0x600, s19  }
0x1d: {  	s20 =	sand.u32 @!p1 $0x300, s20;
	s17 =	sor.u32 @!p1 s17, s18;
	s18 =	sshll.u32 @!p1 s11, $0xD  }
0x1e: {  	s17 =	sor.u32 @!p1 s19, s17;
	s19 =	sshll.u32 @!p1 s10, $0xA;
	s18 =	sadd.s32 @!p1 s3, s18  }
0x1f: {  	s16 =	sand.u32 @!p1 $0x4000, s16;
	s18 =	sadd.s32 @!p1 s19, s18;
	s19 =	sand.u32 @!p1 $0x7, s8  }
0x20: {  	s17 =	sshrl.u32 @!p1 s17, $0x3;
	s18 =	sadd.s32 @!p1 s20, s18;
	s19 =	sshll.u32 @!p1 s19, $0x12  }
0x21: {  	s17 =	sadd.s32 @!p1 s17, s18;
	s18 =	sor.u32 @!p1 $0x800, s19;
	s19 =	simm.s32 @!p1 $0x2000  }
0x22: {  	[tilespmem:s16], [sflag:$0x1] =	stream.strided.gather @!p1 [hbm4b:s17+s18], $0x4000, s19, s18, $0x38;
	[tilespmem:$0x10000] =	vst v63  }
0x23: {  	p1 =	seq.s32 s7, $0x0  }
0x24: {  	p2 =	seq.s32 @!p1 s7, $0x11  }
0x25: {  	p1 =	por p1, p2  }
.Ltmp2:
0x26: {  	_ = 	snop;
	(pc) =	sbr.rel @p1 .LBB1_7-.Ltmp2, $1  }
0x27: {  	_ =	sdelay $0x3  }
0x28: {  	s16 =	simm.s32 $0x1  }
0x29: {  	_ =	swait.ge [sflag:s4], $0x4000;
	s31 =	sshll.u32 s7, $0xE;
	s16 =	simm.s32 @!p0 $0x0  }
0x2a: {  	s20 =	simm.s32 $0x0;
	s21 =	simm.s32 $0x0;
	s16 =	sshll.u32 s16, $0x10  }
0x2b: {  	s22 =	simm.s32 $0x0;
	[sflag:s4] =	ssyncset.done $0x0;
	s19 =	sshrl.u32 s16, $0x2  }
0x2c: {  	[sflag:s4] =	ssyncadd.s32 $0xFFFFC000;
	s16 =	sand.u32 $0x4000, s31;
	s17 =	sor.u32 $0x400, s19  }
0x2d: {  	s18 =	sor.u32 $0x8000, s19;
	s16 =	sor.u32 $0x8000, s16;
	s19 =	sadd.s32 $0x8C00, s19  }
.LBB1_3:
0x2e: {  	v0 =	vmov s18;
	v1 =	vld [tilespmem:s17+$0x270]  }
0x2f: {  	v2 =	vld [tilespmem:s17+$0xFFFFFC10]  }
0x30: {  	v3 =	vld [tilespmem:s17+$0xFFFFFC20]  }
0x31: {  	s23 =	sshll.u32 s21, $0x2;
	s24 =	sand.u32 $0x3, s20;
	v4 =	vld [tilespmem:s17+$0xFFFFFC30]  }
0x32: {  	v5 =	vld [tilespmem:s17+$0xFFFFFC40];
	s25 =	sand.u32 $0xFFFFF800, s23;
	s24 =	sshll.u32 s24, $0x9;
	s23 =	simm.s32 $0x0  }
0x33: {  	v6 =	vld [tilespmem:s17+$0xFFFFFC50];
	s24 =	sor.u32 s24, s25;
	[tilespmem:v0+s23+$0xC70 ss:$0x1] =	vst.idx.msk $0xffff, v1  }
0x34: {  	v7 =	vld [tilespmem:s17+$0x220];
	s24 =	sshrl.u32 s24, $0x2;
	[tilespmem:v0+s23+$0x10 ss:$0x1] =	vst.idx.msk $0xffff, v2  }
0x35: {  	v8 =	vld [tilespmem:s17+$0x230];
	s24 =	sadd.s32 s24, s19;
	[tilespmem:v0+s23+$0x20 ss:$0x1] =	vst.idx.msk $0xffff, v3  }
0x36: {  	v1 =	vmov s24;
	[tilespmem:v0+s23+$0x30 ss:$0x1] =	vst.idx.msk $0xffff, v4;
	v4 =	vld [tilespmem:s17+$0xFFFFFE00]  }
0x37: {  	[tilespmem:v0+s23+$0x40 ss:$0x1] =	vst.idx.msk $0xffff, v5;
	v5 =	vld [tilespmem:s17+$0xFFFFFE10]  }
0x38: {  	[tilespmem:v0+s23+$0x50 ss:$0x1] =	vst.idx.msk $0xffff, v6;
	v6 =	vld [tilespmem:s17+$0xFFFFFE20]  }
0x39: {  	v2 =	vld [tilespmem:s17+$0xFFFFFC60];
	[tilespmem:v0+s23+$0xC20 ss:$0x1] =	vst.idx.msk $0xffff, v7  }
0x3a: {  	v3 =	vld [tilespmem:s17+$0xFFFFFC70];
	[tilespmem:v0+s23+$0xC30 ss:$0x1] =	vst.idx.msk $0xffff, v8  }
0x3b: {  	[tilespmem:v1+s23+$0xFFFFF800 ss:$0x1] =	vst.idx.msk $0xffff, v4;
	v4 =	vld [tilespmem:s17+$0xFFFFFE50]  }
0x3c: {  	[tilespmem:v0+s23+$0x410 ss:$0x1] =	vst.idx.msk $0xffff, v5;
	v5 =	vld [tilespmem:s17+$0xFFFFFE60]  }
0x3d: {  	[tilespmem:v0+s23+$0x420 ss:$0x1] =	vst.idx.msk $0xffff, v6;
	v6 =	vld [tilespmem:s17+$0xFFFFFE70]  }
0x3e: {  	[tilespmem:v0+s23+$0x60 ss:$0x1] =	vst.idx.msk $0xffff, v2;
	v2 =	vld [tilespmem:s17+$0xFFFFFE30]  }
0x3f: {  	[tilespmem:v0+s23+$0x70 ss:$0x1] =	vst.idx.msk $0xffff, v3;
	v3 =	vld [tilespmem:s17+$0xFFFFFE40]  }
0x40: {  	[tilespmem:v0+s23+$0x450 ss:$0x1] =	vst.idx.msk $0xffff, v4;
	v4 =	vld [tilespmem:s17+$0x20]  }
0x41: {  	[tilespmem:v0+s23+$0x460 ss:$0x1] =	vst.idx.msk $0xffff, v5;
	v5 =	vld [tilespmem:s17+$0x30]  }
0x42: {  	[tilespmem:v0+s23+$0x470 ss:$0x1] =	vst.idx.msk $0xffff, v6;
	v6 =	vld [tilespmem:s17+$0x40]  }
0x43: {  	[tilespmem:v0+s23+$0x430 ss:$0x1] =	vst.idx.msk $0xffff, v2;
	v2 =	vld [tilespmem:s17+$0x0]  }
0x44: {  	[tilespmem:v0+s23+$0x440 ss:$0x1] =	vst.idx.msk $0xffff, v3;
	v3 =	vld [tilespmem:s17+$0x10]  }
0x45: {  	[tilespmem:v0+s23+$0x820 ss:$0x1] =	vst.idx.msk $0xffff, v4;
	v4 =	vld [tilespmem:s17+$0x70]  }
0x46: {  	[tilespmem:v0+s23+$0x830 ss:$0x1] =	vst.idx.msk $0xffff, v5;
	v5 =	vld [tilespmem:s17+$0x200]  }
0x47: {  	[tilespmem:v0+s23+$0x840 ss:$0x1] =	vst.idx.msk $0xffff, v6;
	v6 =	vld [tilespmem:s17+$0x210]  }
0x48: {  	[tilespmem:v1+s23+$0xFFFFFC00 ss:$0x1] =	vst.idx.msk $0xffff, v2;
	v2 =	vld [tilespmem:s17+$0x50]  }
0x49: {  	[tilespmem:v0+s23+$0x810 ss:$0x1] =	vst.idx.msk $0xffff, v3;
	v3 =	vld [tilespmem:s17+$0x60]  }
0x4a: {  	[tilespmem:v0+s23+$0x870 ss:$0x1] =	vst.idx.msk $0xffff, v4;
	v4 =	vld [tilespmem:s17+$0x240]  }
0x4b: {  	[tilespmem:v1+s23+$0x0 ss:$0x1] =	vst.idx.msk $0xffff, v5;
	v5 =	vld [tilespmem:s17+$0x250]  }
0x4c: {  	[tilespmem:v0+s23+$0xC10 ss:$0x1] =	vst.idx.msk $0xffff, v6;
	v6 =	vld [tilespmem:s17+$0x260]  }
0x4d: {  	s24 =	sadd.s32 $0x80, s17;
	[tilespmem:v0+s23+$0x850 ss:$0x1] =	vst.idx.msk $0xffff, v2;
	v2 =	vld [tilespmem:s17+$0xFFFFFC00]  }
0x4e: {  	s26 =	simm.s32 $0x8000;
	s25 =	simm.s32 $0x4000;
	[tilespmem:v0+s23+$0x860 ss:$0x1] =	vst.idx.msk $0xffff, v3;
	v3 =	vld [tilespmem:s24+$0x270]  }
.LBB1_4:
0x4f: {  	p1 =	sne.s32 s26, $0xC000;
	v7 =	vld [tilespmem:s24+$0xFFFFFC10];
	[tilespmem:v0+s23+$0xC40 ss:$0x1] =	vst.idx.msk $0xffff, v4  }
0x50: {  	v4 =	vld [tilespmem:s24+$0xFFFFFC20];
	[tilespmem:v0+s23+$0xC50 ss:$0x1] =	vst.idx.msk $0xffff, v5  }
0x51: {  	v5 =	vld [tilespmem:s24+$0xFFFFFC30];
	[tilespmem:v0+s23+$0xC60 ss:$0x1] =	vst.idx.msk $0xffff, v6  }
0x52: {  	v6 =	vld [tilespmem:s24+$0xFFFFFC40];
	[tilespmem:v0+s23+$0x0 ss:$0x1] =	vst.idx.msk $0xffff, v2;
	s23 =	sshra.s32 s25, $0x2;
	s25 =	smov.u32 s26  }
0x53: {  	v2 =	vld [tilespmem:s24+$0xFFFFFC50];
	[tilespmem:v0+s23+$0xC70 ss:$0x1] =	vst.idx.msk $0xffff, v3  }
0x54: {  	[tilespmem:v0+s23+$0x10 ss:$0x1] =	vst.idx.msk $0xffff, v7;
	v3 =	vld [tilespmem:s24+$0xFFFFFC60]  }
0x55: {  	[tilespmem:v0+s23+$0x20 ss:$0x1] =	vst.idx.msk $0xffff, v4;
	v4 =	vld [tilespmem:s24+$0xFFFFFC70]  }
0x56: {  	[tilespmem:v0+s23+$0x30 ss:$0x1] =	vst.idx.msk $0xffff, v5;
	v5 =	vld [tilespmem:s24+$0xFFFFFE00]  }
0x57: {  	[tilespmem:v0+s23+$0x40 ss:$0x1] =	vst.idx.msk $0xffff, v6;
	v6 =	vld [tilespmem:s24+$0xFFFFFE10]  }
0x58: {  	[tilespmem:v0+s23+$0x50 ss:$0x1] =	vst.idx.msk $0xffff, v2;
	v2 =	vld [tilespmem:s24+$0xFFFFFE20]  }
0x59: {  	[tilespmem:v0+s23+$0x60 ss:$0x1] =	vst.idx.msk $0xffff, v3;
	v3 =	vld [tilespmem:s24+$0xFFFFFE30]  }
0x5a: {  	[tilespmem:v0+s23+$0x70 ss:$0x1] =	vst.idx.msk $0xffff, v4;
	v4 =	vld [tilespmem:s24+$0xFFFFFE40]  }
0x5b: {  	[tilespmem:v1+s23+$0xFFFFF800 ss:$0x1] =	vst.idx.msk $0xffff, v5;
	v5 =	vld [tilespmem:s24+$0xFFFFFE50]  }
0x5c: {  	[tilespmem:v0+s23+$0x410 ss:$0x1] =	vst.idx.msk $0xffff, v6;
	v6 =	vld [tilespmem:s24+$0xFFFFFE60]  }
0x5d: {  	[tilespmem:v0+s23+$0x420 ss:$0x1] =	vst.idx.msk $0xffff, v2;
	v2 =	vld [tilespmem:s24+$0xFFFFFE70]  }
0x5e: {  	[tilespmem:v0+s23+$0x430 ss:$0x1] =	vst.idx.msk $0xffff, v3;
	v3 =	vld [tilespmem:s24+$0x0]  }
0x5f: {  	[tilespmem:v0+s23+$0x440 ss:$0x1] =	vst.idx.msk $0xffff, v4;
	v4 =	vld [tilespmem:s24+$0x10]  }
0x60: {  	[tilespmem:v0+s23+$0x450 ss:$0x1] =	vst.idx.msk $0xffff, v5;
	v5 =	vld [tilespmem:s24+$0x20]  }
0x61: {  	[tilespmem:v0+s23+$0x460 ss:$0x1] =	vst.idx.msk $0xffff, v6;
	v6 =	vld [tilespmem:s24+$0x30]  }
0x62: {  	[tilespmem:v0+s23+$0x470 ss:$0x1] =	vst.idx.msk $0xffff, v2;
	v2 =	vld [tilespmem:s24+$0x40]  }
0x63: {  	[tilespmem:v1+s23+$0xFFFFFC00 ss:$0x1] =	vst.idx.msk $0xffff, v3;
	v3 =	vld [tilespmem:s24+$0x50]  }
0x64: {  	[tilespmem:v0+s23+$0x810 ss:$0x1] =	vst.idx.msk $0xffff, v4;
	v4 =	vld [tilespmem:s24+$0x60]  }
0x65: {  	[tilespmem:v0+s23+$0x820 ss:$0x1] =	vst.idx.msk $0xffff, v5;
	v5 =	vld [tilespmem:s24+$0x70]  }
0x66: {  	[tilespmem:v0+s23+$0x830 ss:$0x1] =	vst.idx.msk $0xffff, v6;
	v6 =	vld [tilespmem:s24+$0x200]  }
0x67: {  	[tilespmem:v0+s23+$0x840 ss:$0x1] =	vst.idx.msk $0xffff, v2;
	v2 =	vld [tilespmem:s24+$0x210]  }
0x68: {  	[tilespmem:v0+s23+$0x850 ss:$0x1] =	vst.idx.msk $0xffff, v3;
	v3 =	vld [tilespmem:s24+$0x220]  }
0x69: {  	[tilespmem:v0+s23+$0x860 ss:$0x1] =	vst.idx.msk $0xffff, v4;
	v7 =	vld [tilespmem:s24+$0x230]  }
.Ltmp3:
0x6a: {  	[tilespmem:v0+s23+$0x870 ss:$0x1] =	vst.idx.msk $0xffff, v5;
	v4 =	vld [tilespmem:s24+$0x240];
	(pc) =	sbr.rel @p1 .LBB1_4-.Ltmp3, $4  }
0x6b: {  	[tilespmem:v1+s23+$0x0 ss:$0x1] =	vst.idx.msk $0xffff, v6;
	v5 =	vld [tilespmem:s24+$0x250]  }
0x6c: {  	[tilespmem:v0+s23+$0xC10 ss:$0x1] =	vst.idx.msk $0xffff, v2;
	v6 =	vld [tilespmem:s24+$0x260]  }
0x6d: {  	v2 =	vld [tilespmem:s24+$0xFFFFFC00];
	[tilespmem:v0+s23+$0xC20 ss:$0x1] =	vst.idx.msk $0xffff, v3;
	s24 =	sadd.s32 $0x80, s24  }
0x6e: {  	s26 =	sadd.s32 $0x4000, s26;
	v3 =	vld [tilespmem:s24+$0x270];
	[tilespmem:v0+s23+$0xC30 ss:$0x1] =	vst.idx.msk $0xffff, v7  }
0x6f: {  	_ =	sdelay $0x3  }
0x70: {  	v7 =	vld [tilespmem:s24+$0xFFFFFC10];
	[tilespmem:v0+s23+$0xC40 ss:$0x1] =	vst.idx.msk $0xffff, v4  }
0x71: {  	v34 =	vld [tilespmem:s24+$0xFFFFFC20];
	[tilespmem:v0+s23+$0xC50 ss:$0x1] =	vst.idx.msk $0xffff, v5  }
0x72: {  	v35 =	vld [tilespmem:s24+$0xFFFFFC30];
	[tilespmem:v0+s23+$0xC60 ss:$0x1] =	vst.idx.msk $0xffff, v6  }
0x73: {  	s25 =	sshra.s32 s25, $0x2;
	v36 =	vld [tilespmem:s24+$0xFFFFFC40];
	[tilespmem:v0+s23+$0x0 ss:$0x1] =	vst.idx.msk $0xffff, v2  }
0x74: {  	v37 =	vld [tilespmem:s24+$0xFFFFFC50];
	[tilespmem:v0+s25+$0xC70 ss:$0x1] =	vst.idx.msk $0xffff, v3  }
0x75: {  	v38 =	vld [tilespmem:s24+$0xFFFFFC60];
	[tilespmem:v0+s25+$0x10 ss:$0x1] =	vst.idx.msk $0xffff, v7  }
0x76: {  	v39 =	vld [tilespmem:s24+$0xFFFFFC70];
	[tilespmem:v0+s25+$0x20 ss:$0x1] =	vst.idx.msk $0xffff, v34  }
0x77: {  	v40 =	vld [tilespmem:s24+$0xFFFFFE00];
	[tilespmem:v0+s25+$0x30 ss:$0x1] =	vst.idx.msk $0xffff, v35  }
0x78: {  	v41 =	vld [tilespmem:s24+$0xFFFFFE10];
	[tilespmem:v0+s25+$0x40 ss:$0x1] =	vst.idx.msk $0xffff, v36  }
0x79: {  	v42 =	vld [tilespmem:s24+$0xFFFFFE20];
	[tilespmem:v0+s25+$0x50 ss:$0x1] =	vst.idx.msk $0xffff, v37  }
0x7a: {  	v43 =	vld [tilespmem:s24+$0xFFFFFE30];
	[tilespmem:v0+s25+$0x60 ss:$0x1] =	vst.idx.msk $0xffff, v38  }
0x7b: {  	v44 =	vld [tilespmem:s24+$0xFFFFFE40];
	[tilespmem:v0+s25+$0x70 ss:$0x1] =	vst.idx.msk $0xffff, v39  }
0x7c: {  	v45 =	vld [tilespmem:s24+$0xFFFFFE50];
	[tilespmem:v1+s25+$0xFFFFF800 ss:$0x1] =	vst.idx.msk $0xffff, v40  }
0x7d: {  	v46 =	vld [tilespmem:s24+$0xFFFFFE60];
	[tilespmem:v0+s25+$0x410 ss:$0x1] =	vst.idx.msk $0xffff, v41  }
0x7e: {  	v47 =	vld [tilespmem:s24+$0xFFFFFE70];
	[tilespmem:v0+s25+$0x420 ss:$0x1] =	vst.idx.msk $0xffff, v42  }
0x7f: {  	v48 =	vld [tilespmem:s24+$0x0];
	[tilespmem:v0+s25+$0x430 ss:$0x1] =	vst.idx.msk $0xffff, v43  }
0x80: {  	v49 =	vld [tilespmem:s24+$0x10];
	[tilespmem:v0+s25+$0x440 ss:$0x1] =	vst.idx.msk $0xffff, v44  }
0x81: {  	v50 =	vld [tilespmem:s24+$0x20];
	[tilespmem:v0+s25+$0x450 ss:$0x1] =	vst.idx.msk $0xffff, v45  }
0x82: {  	v51 =	vld [tilespmem:s24+$0x30];
	[tilespmem:v0+s25+$0x460 ss:$0x1] =	vst.idx.msk $0xffff, v46  }
0x83: {  	v52 =	vld [tilespmem:s24+$0x40];
	[tilespmem:v0+s25+$0x470 ss:$0x1] =	vst.idx.msk $0xffff, v47  }
0x84: {  	v53 =	vld [tilespmem:s24+$0x50];
	[tilespmem:v1+s25+$0xFFFFFC00 ss:$0x1] =	vst.idx.msk $0xffff, v48  }
0x85: {  	v54 =	vld [tilespmem:s24+$0x60];
	[tilespmem:v0+s25+$0x810 ss:$0x1] =	vst.idx.msk $0xffff, v49  }
0x86: {  	v55 =	vld [tilespmem:s24+$0x70];
	[tilespmem:v0+s25+$0x820 ss:$0x1] =	vst.idx.msk $0xffff, v50  }
0x87: {  	v56 =	vld [tilespmem:s24+$0x200];
	[tilespmem:v0+s25+$0x830 ss:$0x1] =	vst.idx.msk $0xffff, v51  }
0x88: {  	v57 =	vld [tilespmem:s24+$0x210];
	[tilespmem:v0+s25+$0x840 ss:$0x1] =	vst.idx.msk $0xffff, v52  }
0x89: {  	v58 =	vld [tilespmem:s24+$0x220];
	[tilespmem:v0+s25+$0x850 ss:$0x1] =	vst.idx.msk $0xffff, v53  }
0x8a: {  	v59 =	vld [tilespmem:s24+$0x230];
	[tilespmem:v0+s25+$0x860 ss:$0x1] =	vst.idx.msk $0xffff, v54  }
0x8b: {  	v60 =	vld [tilespmem:s24+$0x240];
	[tilespmem:v0+s25+$0x870 ss:$0x1] =	vst.idx.msk $0xffff, v55  }
0x8c: {  	v61 =	vld [tilespmem:s24+$0x250];
	[tilespmem:v1+s25+$0x0 ss:$0x1] =	vst.idx.msk $0xffff, v56  }
0x8d: {  	v62 =	vld [tilespmem:s24+$0x260];
	s22 =	sadd.s32 $0x1, s22;
	[tilespmem:v0+s25+$0xC10 ss:$0x1] =	vst.idx.msk $0xffff, v57  }
0x8e: {  	v63 =	vld [tilespmem:s24+$0xFFFFFC00];
	p1 =	sne.s32 s22, $0x8;
	[tilespmem:v0+s25+$0xC20 ss:$0x1] =	vst.idx.msk $0xffff, v58  }
.Ltmp4:
0x8f: {  	[tilespmem:v0+s25+$0xC30 ss:$0x1] =	vst.idx.msk $0xffff, v59;
	(pc) =	sbr.rel @p1 .LBB1_3-.Ltmp4, $4  }
0x90: {  	[tilespmem:v0+s25+$0xC40 ss:$0x1] =	vst.idx.msk $0xffff, v60  }
0x91: {  	[tilespmem:v0+s25+$0xC50 ss:$0x1] =	vst.idx.msk $0xffff, v61  }
0x92: {  	s17 =	sadd.s32 $0x800, s17;
	[tilespmem:v0+s25+$0xC60 ss:$0x1] =	vst.idx.msk $0xffff, v62  }
0x93: {  	s21 =	sadd.s32 $0x80, s21;
	s20 =	sadd.s32 $0x1, s20;
	s18 =	sadd.s32 $0x80, s18;
	[tilespmem:v0+s25+$0x0 ss:$0x1] =	vst.idx.msk $0xffff, v63  }
0x94: {  	s15 =	sshll.u32 s15, $0x7;
	s17 =	sand.u32 $0x78, s12  }
0x95: {  	s18 =	sshll.u32 s12, $0x3;
	s14 =	sshll.u32 s14, $0xD;
	s13 =	sshll.u32 s13, $0xB  }
0x96: {  	s29 =	sand.u32 $0x700, s12;
	s15 =	sand.u32 $0x380, s15;
	s18 =	sand.u32 $0x400, s18  }
.Ltmp5:
0x97: {  	s14 =	sadd.s32 s2, s14;
	s15 =	sor.u32 s15, s17;
	(pc) =	sbr.rel .LBB1_7-.Ltmp5, $4  }
0x98: {  	s30 =	sand.u32 $0x7, s12;
	s13 =	sadd.s32 s13, s14;
	s15 =	sor.u32 s18, s15  }
0x99: {  	s12 =	sshll.u32 s30, $0x12;
	s13 =	sadd.s32 s29, s13;
	s31 =	sshrl.u32 s15, $0x3  }
0x9a: {  	s12 =	sor.u32 $0x1000, s12;
	s13 =	sadd.s32 s31, s13  }
0x9b: {  	[hbm4b:s13+s12] =	stream.strided.scatter [tilespmem:s16], [sflag:$0x2], $0x4000, s6, s12, $0x38;
	[tilespmem:$0x10000] =	vst v63  }
.LBB1_8:
0x9c: {  	_ =	sfence.sel $0x180000  }
0x9d: {  	s2 =	simm.s32 $0x1;
	[bflag:$0x0] =	sbarrier.arrive $0xFFFF  }
0x9e: {  	s31 =	simm.s32 $0x2;
	[sflag:s2] =	ssyncpa.u1 $0x1  }
0x9f: {  	[sflag:s31] =	ssyncpa.u1 $0x1  }
0xa0: {  	p0 =	sne.s32 s1, $0x0;
	_ =	strace $0x90000050  }
0xa1: {  	s0 =	sadd.s32 @!p0 $0x100000, s0;
	[bflag:$0x2] =	sbarrier.arrive $0xFFFF  }
0xa2: {  	[sflag:s0] =	ssyncadd.tile.s32 @!p0 $0x1;
	_ =	shalt  }
.Lfunc_end1:
_tile_overlayer_lowered:
.L_overlay_start_2:
0xa3: {  	(tag) =	ssettag $0x2  }
0xa4: {  	s0 =	rddreg [dreg:$0x0];
	s2 =	stileid.u32  }
0xa5: {  	s1 =	rddreg [dreg:$0x1];
	p0 =	sne.s32 s2, $0x0  }
0xa6: {  	s3 =	rddreg [dreg:$0x2];
	[bflag:$0x3] =	sbarrier.arrive $0xFFFF;
	s2 =	simm.s32 @!p0 $0x1C01  }
0xa7: {  	[timem:s3], [sflag:s2] =	dma.local @!p0 [hbm:s0], s1  }
0xa8: {  	s0 =	simm.s32 @!p0 $0x1  }
0xa9: {  	_ =	swait.ge @!p0 [sflag:s0], s1  }
0xaa: {  	s1 =	ssub.s32 @!p0 $0x0, s1;
	[sflag:s0] =	ssyncset.done @!p0 $0x0  }
0xab: {  	[sflag:s0] =	ssyncadd.s32 @!p0 s1  }
0xac: {  	[bflag:$0x3] =	sbarrier.arrive $0xFFFF  }
0xad: {  	_ =	shalt  }

</sc_bundles>
